<compile_context>
chip_gen: v7x
topology: tpu7x:2x2x1
jax: 0.10.2.dev20260603
libtpu: 0.0.44.dev20260713+nightly
codegen_flags: <defaults>
</compile_context>

<pallas_src>
import functools

import jax
import jax.numpy as jnp
from jax import lax
from jax.experimental import pallas as pl
from jax.experimental.pallas import tpu as pltpu
from jax.experimental.pallas import tpu_sc as plsc

_LANES = 16
_GATHER = 128


@functools.partial(jax.jit, static_argnames=("n_samples", "seq_len"))
def _pool(x2d, table, n_samples, seq_len):
    info = plsc.get_sparse_core_info()
    nc, ns = info.num_cores, info.num_subcores
    nw = nc * ns
    samples_per_tile = n_samples // nw
    chunk_samples = 16
    chunks = samples_per_tile // chunk_samples
    chunk_idx = chunk_samples * seq_len
    n_gather = chunk_idx // _GATHER

    mesh = plsc.VectorSubcoreMesh(core_axis_name="c", subcore_axis_name="s")

    unroll = 8
    red_iters = seq_len // unroll

    @functools.partial(
        pl.kernel,
        out_type=jax.ShapeDtypeStruct((n_samples, _LANES), jnp.float32),
        mesh=mesh,
        scratch_types=[
            pltpu.VMEM((2, n_gather, _GATHER), jnp.int32),
            pltpu.VMEM((2, chunk_idx, _LANES), jnp.float32),
            pltpu.VMEM((samples_per_tile, _LANES), jnp.float32),
            pltpu.SemaphoreType.DMA,
            pltpu.SemaphoreType.DMA,
        ],
        compiler_params=pltpu.CompilerParams(use_tc_tiling_on_sc=False),
    )
    def pool_kernel(x_hbm, table_hbm, out_hbm, idx_v, rows_v, iv_v,
                    sem0, sem1):
        wid = lax.axis_index("s") * nc + lax.axis_index("c")
        samp0 = wid * samples_per_tile
        chunk0 = wid * chunks

        def stage(ci, buf, sem):
            pltpu.sync_copy(x_hbm.at[chunk0 + ci], idx_v.at[buf])

            def fire(j, carry):
                pltpu.async_copy(table_hbm.at[idx_v.at[buf, j]],
                                 rows_v.at[buf, pl.ds(j * _GATHER, _GATHER)],
                                 sem)
                return carry

            lax.fori_loop(0, n_gather, fire, 0)

        def consume(ci, buf, sem):
            pltpu.make_async_copy(table_hbm.at[pl.ds(0, chunk_idx)],
                                  rows_v.at[buf], sem).wait()

            def sample_body(si, carry):
                base = si * seq_len
                out_slot = ci * chunk_samples + si

                def red(t, acc):
                    b = base + t * unroll
                    sv = list(acc[:4])
                    zv = list(acc[4:])
                    for k in range(unroll):
                        v = rows_v[buf, b + k]
                        sv[k % 4] = sv[k % 4] + v
                        zv[k % 4] = zv[k % 4] + jnp.where(v == 0.0, 1.0, 0.0)
                    return tuple(sv) + tuple(zv)

                z = jnp.zeros((_LANES,), jnp.float32)
                acc = lax.fori_loop(0, red_iters, red, (z,) * 8)
                sv = (acc[0] + acc[1]) + (acc[2] + acc[3])
                zv = (acc[4] + acc[5]) + (acc[6] + acc[7])
                iv_v[out_slot] = sv / (jnp.float32(seq_len) - zv)
                return carry

            lax.fori_loop(0, chunk_samples, sample_body, 0)

        stage(0, 0, sem0)

        def outer(g, carry):
            ci = 2 * g
            stage(ci + 1, 1, sem1)
            consume(ci, 0, sem0)

            @pl.when(ci + 2 < chunks)
            def _prefetch():
                stage(ci + 2, 0, sem0)

            consume(ci + 1, 1, sem1)
            return carry

        lax.fori_loop(0, chunks // 2, outer, 0)
        pltpu.sync_copy(iv_v,
                        out_hbm.at[pl.ds(samp0, samples_per_tile)])

    return pool_kernel(x2d, table)


@functools.partial(jax.jit, static_argnames=("vocab",))
def _format_table(tlin, vocab):
    info = plsc.get_sparse_core_info()
    nc, ns = info.num_cores, info.num_subcores
    nw = nc * ns
    w = 1600
    n_chunks = vocab // w
    iters = (n_chunks + nw - 1) // nw

    mesh = plsc.VectorSubcoreMesh(core_axis_name="c", subcore_axis_name="s")

    @functools.partial(
        pl.kernel,
        out_type=jax.ShapeDtypeStruct((vocab, _LANES), jnp.float32),
        mesh=mesh,
        scratch_types=[
            pltpu.VMEM((_LANES, w), jnp.float32),
            pltpu.VMEM((w, _LANES), jnp.float32),
            pltpu.SemaphoreType.DMA,
        ],
        compiler_params=pltpu.CompilerParams(use_tc_tiling_on_sc=False,
                                             needs_layout_passes=False),
    )
    def fmt_kernel(t_hbm, out_hbm, tin, tout, sem):
        wid = lax.axis_index("s") * nc + lax.axis_index("c")
        iota16 = lax.broadcasted_iota(jnp.int32, (_LANES,), 0)

        def chunk(i, carry):
            k = wid + i * nw

            @pl.when(k < n_chunks)
            def _():
                c0 = k * w
                for d in range(_LANES):
                    pltpu.async_copy(t_hbm.at[d, pl.ds(c0, w)],
                                     tin.at[d], sem)
                pltpu.make_async_copy(
                    t_hbm.at[pl.ds(0, _LANES), pl.ds(0, w)], tin, sem).wait()

                for d0 in range(0, _LANES, 4):
                    dvs = [jnp.full((_LANES,), d0 + t, jnp.int32)
                           for t in range(4)]

                    def inner(m, rv, d0=d0, dvs=dvs):
                        vs = [tin[d0 + t, pl.ds(m * _LANES, _LANES)]
                              for t in range(4)]
                        for t in range(4):
                            plsc.store_scatter(tout, [rv, dvs[t]], vs[t])
                        return rv + _LANES

                    lax.fori_loop(0, w // _LANES, inner, iota16, unroll=2)
                pltpu.sync_copy(tout, out_hbm.at[pl.ds(c0, w)])

            return carry

        lax.fori_loop(0, iters, chunk, 0)

    return fmt_kernel(tlin)


def _mlp_body(iv_ref, w1_ref, b1_ref, w2_ref, b2_ref, out_ref):
    iv = iv_ref[...]
    h = lax.dot_general(iv, w1_ref[...], (((1,), (1,)), ((), ())),
                        preferred_element_type=jnp.float32)
    h = jnp.maximum(h + b1_ref[...], 0.0)
    o = lax.dot_general(h, w2_ref[...], (((1,), (1,)), ((), ())),
                        preferred_element_type=jnp.float32)
    out_ref[...] = o + b2_ref[...]


def _mlp(iv, W1, b1, W2, b2):
    n, d = iv.shape
    m = W1.shape[0]
    k = W2.shape[0]
    blk = 2048
    return pl.pallas_call(
        _mlp_body,
        grid=(n // blk,),
        in_specs=[
            pl.BlockSpec((blk, d), lambda i: (i, 0)),
            pl.BlockSpec((m, d), lambda i: (0, 0)),
            pl.BlockSpec((1, m), lambda i: (0, 0)),
            pl.BlockSpec((k, m), lambda i: (0, 0)),
            pl.BlockSpec((1, k), lambda i: (0, 0)),
        ],
        out_specs=pl.BlockSpec((blk, k), lambda i: (i, 0)),
        out_shape=jax.ShapeDtypeStruct((n, k), jnp.float32),
    )(iv, W1, b1.reshape(1, -1), W2, b2.reshape(1, -1))


def kernel(x, table, W1, b1, W2, b2):
    n_samples, seq_len = x.shape
    x3d = x.reshape(-1, (16 * seq_len) // _GATHER, _GATHER)
    vocab = table.shape[0]
    tt1d = jax.lax.optimization_barrier(table.T.reshape(-1))
    tlin = tt1d.reshape(_LANES, vocab)
    tbl = _format_table(tlin, vocab)
    iv = _pool(x3d, tbl, n_samples, seq_len)
    return _mlp(iv, W1, b1, W2, b2)

# --- scband reference (transcript-rebuilt; emitter-appended) ---
"""Pipeline reference for scband-model-77000173683074 (READ-ONLY COPY).

The authoritative reference and input builder live on the scoring server;
editing this copy changes nothing except your own understanding.
"""

import jax, jax.numpy as jnp
import numpy as np

NUM_VOCAB = 1000000
NUM_CLASS = 100
DIM_D = 16
DIM_M = 16
B = 16384
L = 200

def setup_inputs(seed: int = 0) -> dict:
    key = jax.random.key(seed)
    k_x, k_tab, k_w1, k_b1, k_w2, k_b2 = jax.random.split(key, 6)
    x = jax.random.randint(k_x, (B, L), 0, NUM_VOCAB, dtype=jnp.int64 if jax.config.jax_enable_x64 else jnp.int32).astype(jnp.int32)
    table = jax.random.normal(k_tab, (NUM_VOCAB, DIM_D), dtype=jnp.float32) * 0.02
    table = table.at[0].set(0.0)  # padding_idx=0
    W1 = jax.random.normal(k_w1, (DIM_M, DIM_D), dtype=jnp.float32) * (1.0 / np.sqrt(DIM_D))
    b1 = jnp.zeros((DIM_M,), dtype=jnp.float32)
    W2 = jax.random.normal(k_w2, (NUM_CLASS, DIM_M), dtype=jnp.float32) * (1.0 / np.sqrt(DIM_M))
    b2 = jnp.zeros((NUM_CLASS,), dtype=jnp.float32)
    return {"x": x, "table": table, "W1": W1, "b1": b1, "W2": W2, "b2": b2}

def reference(x, table, W1, b1, W2, b2):
    # embedding lookup (padding_idx=0 row is zeroed in the table)
    emb = jnp.take(table, x, axis=0)  # [B, L, D]
    s = emb.sum(axis=1)  # [B, D]
    cnt = jnp.count_nonzero(emb, axis=1)  # [B, D] int
    input_vector = s / cnt
    hidden = jax.nn.relu(input_vector @ W1.T + b1)
    # dropout is identity at inference
    out = hidden @ W2.T + b2
    return out

if __name__ == "__main__":
    import jax
    _d = setup_inputs()
    print(jax.jit(kernel)(*tuple(_d.values())))

</pallas_src>

<mosaic_0001>
#map = affine_map<(d0, d1) -> (0, 0)>
module attributes {stable_mosaic.version = 14 : i64} {
  func.func @fmt_kernel(%arg0: i32, %arg1: i32, %arg2: memref<16x1000000xf32, #tpu.memory_space<hbm>>, %arg3: memref<1000000x16xf32, #tpu.memory_space<hbm>>, %arg4: memref<16x1600xf32, #tpu.memory_space<vmem>>, %arg5: memref<1600x16xf32, #tpu.memory_space<vmem>>, %arg6: memref<!tpu.dma_semaphore, #tpu.memory_space<semaphore_mem>>) attributes {dimension_semantics = [#tpu.dimension_semantics<core_parallel>, #tpu.dimension_semantics<subcore_parallel>], iteration_bounds = array<i64: 2, 16>, scalar_prefetch = 0 : i64, scratch_operands = 3 : i64, tpu.core_type = #tpu.core_type<sc_vector_subcore>, window_params = [{transform_indices = #map}, {transform_indices = #map}]} {
    %mul3A = arith.constant 2 : i32
    %mul3A_0 = arith.muli %arg1, %mul3A : i32
    %add3A = arith.addi %mul3A_0, %arg0 : i32
    %iota3A = tpu.iota {dimensions = array<i32: 0>} : vector<16xi32>
    %scan3A = arith.constant 0 : i32
    %scan3A_1 = arith.constant 0 : i32
    %scan3A_2 = arith.constant 20 : i32
    %scan3A_3 = arith.addi %scan3A_1, %scan3A_2 : i32
    %scan3A_4 = arith.constant 1 : i32
    scf.for %scan3A_6 = %scan3A_1 to %scan3A_3 step %scan3A_4  : i32 {
      %mul3A_7 = arith.constant 32 : i32
      %mul3A_8 = arith.muli %scan3A_6, %mul3A_7 : i32
      %add3A_9 = arith.addi %add3A, %mul3A_8 : i32
      %lt3A = arith.constant 625 : i32
      %lt3A_10 = arith.cmpi slt, %add3A_9, %lt3A : i32
      %convert_element_type3A = arith.extui %lt3A_10 : i1 to i32
      %cond3A = arith.constant 0 : i32
      %cond3A_11 = arith.cmpi ne, %convert_element_type3A, %cond3A : i32
      scf.if %cond3A_11 {
        %mul3A_12 = arith.constant 1600 : i32
        %mul3A_13 = arith.muli %add3A_9, %mul3A_12 : i32
        %dma_start3A = arith.constant 0 : i32
        %dma_start3A_14 = arith.constant 0 : i32
        %dma_start3A_15 = arith.constant 0 : i32
        %dma_start3A_16 = tpu.memref_slice %arg4[%dma_start3A_14, %dma_start3A_15] : memref<16x1600xf32, #tpu.memory_space<vmem>> -> memref<1x1600xf32, #tpu.memory_space<vmem>>
        %dma_start3A_17 = tpu.memref_squeeze %dma_start3A_16 : memref<1x1600xf32, #tpu.memory_space<vmem>> -> memref<1600xf32, #tpu.memory_space<vmem>>
        %dma_start3A_18 = tpu.memref_slice %arg2[%dma_start3A, %mul3A_13] : memref<16x1000000xf32, #tpu.memory_space<hbm>> -> memref<1x1600xf32, #tpu.memory_space<hbm>>
        %dma_start3A_19 = tpu.memref_squeeze %dma_start3A_18 : memref<1x1600xf32, #tpu.memory_space<hbm>> -> memref<1600xf32, #tpu.memory_space<hbm>>
        %dma_start3A_20 = arith.constant 0 : i32
        %dma_start3A_21 = tpu.memref_slice %arg4[%dma_start3A_14, %dma_start3A_20] : memref<16x1600xf32, #tpu.memory_space<vmem>> -> memref<1x1600xf32, #tpu.memory_space<vmem>>
        %dma_start3A_22 = tpu.memref_squeeze %dma_start3A_21 : memref<1x1600xf32, #tpu.memory_space<vmem>> -> memref<1600xf32, #tpu.memory_space<vmem>>
        %dma_start3A_23 = tpu.memref_slice %arg2[%dma_start3A, %mul3A_13] : memref<16x1000000xf32, #tpu.memory_space<hbm>> -> memref<1x1600xf32, #tpu.memory_space<hbm>>
        %dma_start3A_24 = tpu.memref_squeeze %dma_start3A_23 : memref<1x1600xf32, #tpu.memory_space<hbm>> -> memref<1600xf32, #tpu.memory_space<hbm>>
        tpu.enqueue_dma source(%dma_start3A_24 : memref<1600xf32, #tpu.memory_space<hbm>>) target(%dma_start3A_22 : memref<1600xf32, #tpu.memory_space<vmem>>) target_semaphore(%arg6 : memref<!tpu.dma_semaphore, #tpu.memory_space<semaphore_mem>>)
        %dma_start3A_25 = arith.constant 1 : i32
        %dma_start3A_26 = arith.constant 1 : i32
        %dma_start3A_27 = arith.constant 0 : i32
        %dma_start3A_28 = tpu.memref_slice %arg4[%dma_start3A_26, %dma_start3A_27] : memref<16x1600xf32, #tpu.memory_space<vmem>> -> memref<1x1600xf32, #tpu.memory_space<vmem>>
        %dma_start3A_29 = tpu.memref_squeeze %dma_start3A_28 : memref<1x1600xf32, #tpu.memory_space<vmem>> -> memref<1600xf32, #tpu.memory_space<vmem>>
        %dma_start3A_30 = tpu.memref_slice %arg2[%dma_start3A_25, %mul3A_13] : memref<16x1000000xf32, #tpu.memory_space<hbm>> -> memref<1x1600xf32, #tpu.memory_space<hbm>>
        %dma_start3A_31 = tpu.memref_squeeze %dma_start3A_30 : memref<1x1600xf32, #tpu.memory_space<hbm>> -> memref<1600xf32, #tpu.memory_space<hbm>>
        %dma_start3A_32 = arith.constant 0 : i32
        %dma_start3A_33 = tpu.memref_slice %arg4[%dma_start3A_26, %dma_start3A_32] : memref<16x1600xf32, #tpu.memory_space<vmem>> -> memref<1x1600xf32, #tpu.memory_space<vmem>>
        %dma_start3A_34 = tpu.memref_squeeze %dma_start3A_33 : memref<1x1600xf32, #tpu.memory_space<vmem>> -> memref<1600xf32, #tpu.memory_space<vmem>>
        %dma_start3A_35 = tpu.memref_slice %arg2[%dma_start3A_25, %mul3A_13] : memref<16x1000000xf32, #tpu.memory_space<hbm>> -> memref<1x1600xf32, #tpu.memory_space<hbm>>
        %dma_start3A_36 = tpu.memref_squeeze %dma_start3A_35 : memref<1x1600xf32, #tpu.memory_space<hbm>> -> memref<1600xf32, #tpu.memory_space<hbm>>
        tpu.enqueue_dma source(%dma_start3A_36 : memref<1600xf32, #tpu.memory_space<hbm>>) target(%dma_start3A_34 : memref<1600xf32, #tpu.memory_space<vmem>>) target_semaphore(%arg6 : memref<!tpu.dma_semaphore, #tpu.memory_space<semaphore_mem>>)
        %dma_start3A_37 = arith.constant 2 : i32
        %dma_start3A_38 = arith.constant 2 : i32
        %dma_start3A_39 = arith.constant 0 : i32
        %dma_start3A_40 = tpu.memref_slice %arg4[%dma_start3A_38, %dma_start3A_39] : memref<16x1600xf32, #tpu.memory_space<vmem>> -> memref<1x1600xf32, #tpu.memory_space<vmem>>
        %dma_start3A_41 = tpu.memref_squeeze %dma_start3A_40 : memref<1x1600xf32, #tpu.memory_space<vmem>> -> memref<1600xf32, #tpu.memory_space<vmem>>
        %dma_start3A_42 = tpu.memref_slice %arg2[%dma_start3A_37, %mul3A_13] : memref<16x1000000xf32, #tpu.memory_space<hbm>> -> memref<1x1600xf32, #tpu.memory_space<hbm>>
        %dma_start3A_43 = tpu.memref_squeeze %dma_start3A_42 : memref<1x1600xf32, #tpu.memory_space<hbm>> -> memref<1600xf32, #tpu.memory_space<hbm>>
        %dma_start3A_44 = arith.constant 0 : i32
        %dma_start3A_45 = tpu.memref_slice %arg4[%dma_start3A_38, %dma_start3A_44] : memref<16x1600xf32, #tpu.memory_space<vmem>> -> memref<1x1600xf32, #tpu.memory_space<vmem>>
        %dma_start3A_46 = tpu.memref_squeeze %dma_start3A_45 : memref<1x1600xf32, #tpu.memory_space<vmem>> -> memref<1600xf32, #tpu.memory_space<vmem>>
        %dma_start3A_47 = tpu.memref_slice %arg2[%dma_start3A_37, %mul3A_13] : memref<16x1000000xf32, #tpu.memory_space<hbm>> -> memref<1x1600xf32, #tpu.memory_space<hbm>>
        %dma_start3A_48 = tpu.memref_squeeze %dma_start3A_47 : memref<1x1600xf32, #tpu.memory_space<hbm>> -> memref<1600xf32, #tpu.memory_space<hbm>>
        tpu.enqueue_dma source(%dma_start3A_48 : memref<1600xf32, #tpu.memory_space<hbm>>) target(%dma_start3A_46 : memref<1600xf32, #tpu.memory_space<vmem>>) target_semaphore(%arg6 : memref<!tpu.dma_semaphore, #tpu.memory_space<semaphore_mem>>)
        %dma_start3A_49 = arith.constant 3 : i32
        %dma_start3A_50 = arith.constant 3 : i32
        %dma_start3A_51 = arith.constant 0 : i32
        %dma_start3A_52 = tpu.memref_slice %arg4[%dma_start3A_50, %dma_start3A_51] : memref<16x1600xf32, #tpu.memory_space<vmem>> -> memref<1x1600xf32, #tpu.memory_space<vmem>>
        %dma_start3A_53 = tpu.memref_squeeze %dma_start3A_52 : memref<1x1600xf32, #tpu.memory_space<vmem>> -> memref<1600xf32, #tpu.memory_space<vmem>>
        %dma_start3A_54 = tpu.memref_slice %arg2[%dma_start3A_49, %mul3A_13] : memref<16x1000000xf32, #tpu.memory_space<hbm>> -> memref<1x1600xf32, #tpu.memory_space<hbm>>
        %dma_start3A_55 = tpu.memref_squeeze %dma_start3A_54 : memref<1x1600xf32, #tpu.memory_space<hbm>> -> memref<1600xf32, #tpu.memory_space<hbm>>
        %dma_start3A_56 = arith.constant 0 : i32
        %dma_start3A_57 = tpu.memref_slice %arg4[%dma_start3A_50, %dma_start3A_56] : memref<16x1600xf32, #tpu.memory_space<vmem>> -> memref<1x1600xf32, #tpu.memory_space<vmem>>
        %dma_start3A_58 = tpu.memref_squeeze %dma_start3A_57 : memref<1x1600xf32, #tpu.memory_space<vmem>> -> memref<1600xf32, #tpu.memory_space<vmem>>
        %dma_start3A_59 = tpu.memref_slice %arg2[%dma_start3A_49, %mul3A_13] : memref<16x1000000xf32, #tpu.memory_space<hbm>> -> memref<1x1600xf32, #tpu.memory_space<hbm>>
        %dma_start3A_60 = tpu.memref_squeeze %dma_start3A_59 : memref<1x1600xf32, #tpu.memory_space<hbm>> -> memref<1600xf32, #tpu.memory_space<hbm>>
        tpu.enqueue_dma source(%dma_start3A_60 : memref<1600xf32, #tpu.memory_space<hbm>>) target(%dma_start3A_58 : memref<1600xf32, #tpu.memory_space<vmem>>) target_semaphore(%arg6 : memref<!tpu.dma_semaphore, #tpu.memory_space<semaphore_mem>>)
        %dma_start3A_61 = arith.constant 4 : i32
        %dma_start3A_62 = arith.constant 4 : i32
        %dma_start3A_63 = arith.constant 0 : i32
        %dma_start3A_64 = tpu.memref_slice %arg4[%dma_start3A_62, %dma_start3A_63] : memref<16x1600xf32, #tpu.memory_space<vmem>> -> memref<1x1600xf32, #tpu.memory_space<vmem>>
        %dma_start3A_65 = tpu.memref_squeeze %dma_start3A_64 : memref<1x1600xf32, #tpu.memory_space<vmem>> -> memref<1600xf32, #tpu.memory_space<vmem>>
        %dma_start3A_66 = tpu.memref_slice %arg2[%dma_start3A_61, %mul3A_13] : memref<16x1000000xf32, #tpu.memory_space<hbm>> -> memref<1x1600xf32, #tpu.memory_space<hbm>>
        %dma_start3A_67 = tpu.memref_squeeze %dma_start3A_66 : memref<1x1600xf32, #tpu.memory_space<hbm>> -> memref<1600xf32, #tpu.memory_space<hbm>>
        %dma_start3A_68 = arith.constant 0 : i32
        %dma_start3A_69 = tpu.memref_slice %arg4[%dma_start3A_62, %dma_start3A_68] : memref<16x1600xf32, #tpu.memory_space<vmem>> -> memref<1x1600xf32, #tpu.memory_space<vmem>>
        %dma_start3A_70 = tpu.memref_squeeze %dma_start3A_69 : memref<1x1600xf32, #tpu.memory_space<vmem>> -> memref<1600xf32, #tpu.memory_space<vmem>>
        %dma_start3A_71 = tpu.memref_slice %arg2[%dma_start3A_61, %mul3A_13] : memref<16x1000000xf32, #tpu.memory_space<hbm>> -> memref<1x1600xf32, #tpu.memory_space<hbm>>
        %dma_start3A_72 = tpu.memref_squeeze %dma_start3A_71 : memref<1x1600xf32, #tpu.memory_space<hbm>> -> memref<1600xf32, #tpu.memory_space<hbm>>
        tpu.enqueue_dma source(%dma_start3A_72 : memref<1600xf32, #tpu.memory_space<hbm>>) target(%dma_start3A_70 : memref<1600xf32, #tpu.memory_space<vmem>>) target_semaphore(%arg6 : memref<!tpu.dma_semaphore, #tpu.memory_space<semaphore_mem>>)
        %dma_start3A_73 = arith.constant 5 : i32
        %dma_start3A_74 = arith.constant 5 : i32
        %dma_start3A_75 = arith.constant 0 : i32
        %dma_start3A_76 = tpu.memref_slice %arg4[%dma_start3A_74, %dma_start3A_75] : memref<16x1600xf32, #tpu.memory_space<vmem>> -> memref<1x1600xf32, #tpu.memory_space<vmem>>
        %dma_start3A_77 = tpu.memref_squeeze %dma_start3A_76 : memref<1x1600xf32, #tpu.memory_space<vmem>> -> memref<1600xf32, #tpu.memory_space<vmem>>
        %dma_start3A_78 = tpu.memref_slice %arg2[%dma_start3A_73, %mul3A_13] : memref<16x1000000xf32, #tpu.memory_space<hbm>> -> memref<1x1600xf32, #tpu.memory_space<hbm>>
        %dma_start3A_79 = tpu.memref_squeeze %dma_start3A_78 : memref<1x1600xf32, #tpu.memory_space<hbm>> -> memref<1600xf32, #tpu.memory_space<hbm>>
        %dma_start3A_80 = arith.constant 0 : i32
        %dma_start3A_81 = tpu.memref_slice %arg4[%dma_start3A_74, %dma_start3A_80] : memref<16x1600xf32, #tpu.memory_space<vmem>> -> memref<1x1600xf32, #tpu.memory_space<vmem>>
        %dma_start3A_82 = tpu.memref_squeeze %dma_start3A_81 : memref<1x1600xf32, #tpu.memory_space<vmem>> -> memref<1600xf32, #tpu.memory_space<vmem>>
        %dma_start3A_83 = tpu.memref_slice %arg2[%dma_start3A_73, %mul3A_13] : memref<16x1000000xf32, #tpu.memory_space<hbm>> -> memref<1x1600xf32, #tpu.memory_space<hbm>>
        %dma_start3A_84 = tpu.memref_squeeze %dma_start3A_83 : memref<1x1600xf32, #tpu.memory_space<hbm>> -> memref<1600xf32, #tpu.memory_space<hbm>>
        tpu.enqueue_dma source(%dma_start3A_84 : memref<1600xf32, #tpu.memory_space<hbm>>) target(%dma_start3A_82 : memref<1600xf32, #tpu.memory_space<vmem>>) target_semaphore(%arg6 : memref<!tpu.dma_semaphore, #tpu.memory_space<semaphore_mem>>)
        %dma_start3A_85 = arith.constant 6 : i32
        %dma_start3A_86 = arith.constant 6 : i32
        %dma_start3A_87 = arith.constant 0 : i32
        %dma_start3A_88 = tpu.memref_slice %arg4[%dma_start3A_86, %dma_start3A_87] : memref<16x1600xf32, #tpu.memory_space<vmem>> -> memref<1x1600xf32, #tpu.memory_space<vmem>>
        %dma_start3A_89 = tpu.memref_squeeze %dma_start3A_88 : memref<1x1600xf32, #tpu.memory_space<vmem>> -> memref<1600xf32, #tpu.memory_space<vmem>>
        %dma_start3A_90 = tpu.memref_slice %arg2[%dma_start3A_85, %mul3A_13] : memref<16x1000000xf32, #tpu.memory_space<hbm>> -> memref<1x1600xf32, #tpu.memory_space<hbm>>
        %dma_start3A_91 = tpu.memref_squeeze %dma_start3A_90 : memref<1x1600xf32, #tpu.memory_space<hbm>> -> memref<1600xf32, #tpu.memory_space<hbm>>
        %dma_start3A_92 = arith.constant 0 : i32
        %dma_start3A_93 = tpu.memref_slice %arg4[%dma_start3A_86, %dma_start3A_92] : memref<16x1600xf32, #tpu.memory_space<vmem>> -> memref<1x1600xf32, #tpu.memory_space<vmem>>
        %dma_start3A_94 = tpu.memref_squeeze %dma_start3A_93 : memref<1x1600xf32, #tpu.memory_space<vmem>> -> memref<1600xf32, #tpu.memory_space<vmem>>
        %dma_start3A_95 = tpu.memref_slice %arg2[%dma_start3A_85, %mul3A_13] : memref<16x1000000xf32, #tpu.memory_space<hbm>> -> memref<1x1600xf32, #tpu.memory_space<hbm>>
        %dma_start3A_96 = tpu.memref_squeeze %dma_start3A_95 : memref<1x1600xf32, #tpu.memory_space<hbm>> -> memref<1600xf32, #tpu.memory_space<hbm>>
        tpu.enqueue_dma source(%dma_start3A_96 : memref<1600xf32, #tpu.memory_space<hbm>>) target(%dma_start3A_94 : memref<1600xf32, #tpu.memory_space<vmem>>) target_semaphore(%arg6 : memref<!tpu.dma_semaphore, #tpu.memory_space<semaphore_mem>>)
        %dma_start3A_97 = arith.constant 7 : i32
        %dma_start3A_98 = arith.constant 7 : i32
        %dma_start3A_99 = arith.constant 0 : i32
        %dma_start3A_100 = tpu.memref_slice %arg4[%dma_start3A_98, %dma_start3A_99] : memref<16x1600xf32, #tpu.memory_space<vmem>> -> memref<1x1600xf32, #tpu.memory_space<vmem>>
        %dma_start3A_101 = tpu.memref_squeeze %dma_start3A_100 : memref<1x1600xf32, #tpu.memory_space<vmem>> -> memref<1600xf32, #tpu.memory_space<vmem>>
        %dma_start3A_102 = tpu.memref_slice %arg2[%dma_start3A_97, %mul3A_13] : memref<16x1000000xf32, #tpu.memory_space<hbm>> -> memref<1x1600xf32, #tpu.memory_space<hbm>>
        %dma_start3A_103 = tpu.memref_squeeze %dma_start3A_102 : memref<1x1600xf32, #tpu.memory_space<hbm>> -> memref<1600xf32, #tpu.memory_space<hbm>>
        %dma_start3A_104 = arith.constant 0 : i32
        %dma_start3A_105 = tpu.memref_slice %arg4[%dma_start3A_98, %dma_start3A_104] : memref<16x1600xf32, #tpu.memory_space<vmem>> -> memref<1x1600xf32, #tpu.memory_space<vmem>>
        %dma_start3A_106 = tpu.memref_squeeze %dma_start3A_105 : memref<1x1600xf32, #tpu.memory_space<vmem>> -> memref<1600xf32, #tpu.memory_space<vmem>>
        %dma_start3A_107 = tpu.memref_slice %arg2[%dma_start3A_97, %mul3A_13] : memref<16x1000000xf32, #tpu.memory_space<hbm>> -> memref<1x1600xf32, #tpu.memory_space<hbm>>
        %dma_start3A_108 = tpu.memref_squeeze %dma_start3A_107 : memref<1x1600xf32, #tpu.memory_space<hbm>> -> memref<1600xf32, #tpu.memory_space<hbm>>
        tpu.enqueue_dma source(%dma_start3A_108 : memref<1600xf32, #tpu.memory_space<hbm>>) target(%dma_start3A_106 : memref<1600xf32, #tpu.memory_space<vmem>>) target_semaphore(%arg6 : memref<!tpu.dma_semaphore, #tpu.memory_space<semaphore_mem>>)
        %dma_start3A_109 = arith.constant 8 : i32
        %dma_start3A_110 = arith.constant 8 : i32
        %dma_start3A_111 = arith.constant 0 : i32
        %dma_start3A_112 = tpu.memref_slice %arg4[%dma_start3A_110, %dma_start3A_111] : memref<16x1600xf32, #tpu.memory_space<vmem>> -> memref<1x1600xf32, #tpu.memory_space<vmem>>
        %dma_start3A_113 = tpu.memref_squeeze %dma_start3A_112 : memref<1x1600xf32, #tpu.memory_space<vmem>> -> memref<1600xf32, #tpu.memory_space<vmem>>
        %dma_start3A_114 = tpu.memref_slice %arg2[%dma_start3A_109, %mul3A_13] : memref<16x1000000xf32, #tpu.memory_space<hbm>> -> memref<1x1600xf32, #tpu.memory_space<hbm>>
        %dma_start3A_115 = tpu.memref_squeeze %dma_start3A_114 : memref<1x1600xf32, #tpu.memory_space<hbm>> -> memref<1600xf32, #tpu.memory_space<hbm>>
        %dma_start3A_116 = arith.constant 0 : i32
        %dma_start3A_117 = tpu.memref_slice %arg4[%dma_start3A_110, %dma_start3A_116] : memref<16x1600xf32, #tpu.memory_space<vmem>> -> memref<1x1600xf32, #tpu.memory_space<vmem>>
        %dma_start3A_118 = tpu.memref_squeeze %dma_start3A_117 : memref<1x1600xf32, #tpu.memory_space<vmem>> -> memref<1600xf32, #tpu.memory_space<vmem>>
        %dma_start3A_119 = tpu.memref_slice %arg2[%dma_start3A_109, %mul3A_13] : memref<16x1000000xf32, #tpu.memory_space<hbm>> -> memref<1x1600xf32, #tpu.memory_space<hbm>>
        %dma_start3A_120 = tpu.memref_squeeze %dma_start3A_119 : memref<1x1600xf32, #tpu.memory_space<hbm>> -> memref<1600xf32, #tpu.memory_space<hbm>>
        tpu.enqueue_dma source(%dma_start3A_120 : memref<1600xf32, #tpu.memory_space<hbm>>) target(%dma_start3A_118 : memref<1600xf32, #tpu.memory_space<vmem>>) target_semaphore(%arg6 : memref<!tpu.dma_semaphore, #tpu.memory_space<semaphore_mem>>)
        %dma_start3A_121 = arith.constant 9 : i32
        %dma_start3A_122 = arith.constant 9 : i32
        %dma_start3A_123 = arith.constant 0 : i32
        %dma_start3A_124 = tpu.memref_slice %arg4[%dma_start3A_122, %dma_start3A_123] : memref<16x1600xf32, #tpu.memory_space<vmem>> -> memref<1x1600xf32, #tpu.memory_space<vmem>>
        %dma_start3A_125 = tpu.memref_squeeze %dma_start3A_124 : memref<1x1600xf32, #tpu.memory_space<vmem>> -> memref<1600xf32, #tpu.memory_space<vmem>>
        %dma_start3A_126 = tpu.memref_slice %arg2[%dma_start3A_121, %mul3A_13] : memref<16x1000000xf32, #tpu.memory_space<hbm>> -> memref<1x1600xf32, #tpu.memory_space<hbm>>
        %dma_start3A_127 = tpu.memref_squeeze %dma_start3A_126 : memref<1x1600xf32, #tpu.memory_space<hbm>> -> memref<1600xf32, #tpu.memory_space<hbm>>
        %dma_start3A_128 = arith.constant 0 : i32
        %dma_start3A_129 = tpu.memref_slice %arg4[%dma_start3A_122, %dma_start3A_128] : memref<16x1600xf32, #tpu.memory_space<vmem>> -> memref<1x1600xf32, #tpu.memory_space<vmem>>
        %dma_start3A_130 = tpu.memref_squeeze %dma_start3A_129 : memref<1x1600xf32, #tpu.memory_space<vmem>> -> memref<1600xf32, #tpu.memory_space<vmem>>
        %dma_start3A_131 = tpu.memref_slice %arg2[%dma_start3A_121, %mul3A_13] : memref<16x1000000xf32, #tpu.memory_space<hbm>> -> memref<1x1600xf32, #tpu.memory_space<hbm>>
        %dma_start3A_132 = tpu.memref_squeeze %dma_start3A_131 : memref<1x1600xf32, #tpu.memory_space<hbm>> -> memref<1600xf32, #tpu.memory_space<hbm>>
        tpu.enqueue_dma source(%dma_start3A_132 : memref<1600xf32, #tpu.memory_space<hbm>>) target(%dma_start3A_130 : memref<1600xf32, #tpu.memory_space<vmem>>) target_semaphore(%arg6 : memref<!tpu.dma_semaphore, #tpu.memory_space<semaphore_mem>>)
        %dma_start3A_133 = arith.constant 10 : i32
        %dma_start3A_134 = arith.constant 10 : i32
        %dma_start3A_135 = arith.constant 0 : i32
        %dma_start3A_136 = tpu.memref_slice %arg4[%dma_start3A_134, %dma_start3A_135] : memref<16x1600xf32, #tpu.memory_space<vmem>> -> memref<1x1600xf32, #tpu.memory_space<vmem>>
        %dma_start3A_137 = tpu.memref_squeeze %dma_start3A_136 : memref<1x1600xf32, #tpu.memory_space<vmem>> -> memref<1600xf32, #tpu.memory_space<vmem>>
        %dma_start3A_138 = tpu.memref_slice %arg2[%dma_start3A_133, %mul3A_13] : memref<16x1000000xf32, #tpu.memory_space<hbm>> -> memref<1x1600xf32, #tpu.memory_space<hbm>>
        %dma_start3A_139 = tpu.memref_squeeze %dma_start3A_138 : memref<1x1600xf32, #tpu.memory_space<hbm>> -> memref<1600xf32, #tpu.memory_space<hbm>>
        %dma_start3A_140 = arith.constant 0 : i32
        %dma_start3A_141 = tpu.memref_slice %arg4[%dma_start3A_134, %dma_start3A_140] : memref<16x1600xf32, #tpu.memory_space<vmem>> -> memref<1x1600xf32, #tpu.memory_space<vmem>>
        %dma_start3A_142 = tpu.memref_squeeze %dma_start3A_141 : memref<1x1600xf32, #tpu.memory_space<vmem>> -> memref<1600xf32, #tpu.memory_space<vmem>>
        %dma_start3A_143 = tpu.memref_slice %arg2[%dma_start3A_133, %mul3A_13] : memref<16x1000000xf32, #tpu.memory_space<hbm>> -> memref<1x1600xf32, #tpu.memory_space<hbm>>
        %dma_start3A_144 = tpu.memref_squeeze %dma_start3A_143 : memref<1x1600xf32, #tpu.memory_space<hbm>> -> memref<1600xf32, #tpu.memory_space<hbm>>
        tpu.enqueue_dma source(%dma_start3A_144 : memref<1600xf32, #tpu.memory_space<hbm>>) target(%dma_start3A_142 : memref<1600xf32, #tpu.memory_space<vmem>>) target_semaphore(%arg6 : memref<!tpu.dma_semaphore, #tpu.memory_space<semaphore_mem>>)
        %dma_start3A_145 = arith.constant 11 : i32
        %dma_start3A_146 = arith.constant 11 : i32
        %dma_start3A_147 = arith.constant 0 : i32
        %dma_start3A_148 = tpu.memref_slice %arg4[%dma_start3A_146, %dma_start3A_147] : memref<16x1600xf32, #tpu.memory_space<vmem>> -> memref<1x1600xf32, #tpu.memory_space<vmem>>
        %dma_start3A_149 = tpu.memref_squeeze %dma_start3A_148 : memref<1x1600xf32, #tpu.memory_space<vmem>> -> memref<1600xf32, #tpu.memory_space<vmem>>
        %dma_start3A_150 = tpu.memref_slice %arg2[%dma_start3A_145, %mul3A_13] : memref<16x1000000xf32, #tpu.memory_space<hbm>> -> memref<1x1600xf32, #tpu.memory_space<hbm>>
        %dma_start3A_151 = tpu.memref_squeeze %dma_start3A_150 : memref<1x1600xf32, #tpu.memory_space<hbm>> -> memref<1600xf32, #tpu.memory_space<hbm>>
        %dma_start3A_152 = arith.constant 0 : i32
        %dma_start3A_153 = tpu.memref_slice %arg4[%dma_start3A_146, %dma_start3A_152] : memref<16x1600xf32, #tpu.memory_space<vmem>> -> memref<1x1600xf32, #tpu.memory_space<vmem>>
        %dma_start3A_154 = tpu.memref_squeeze %dma_start3A_153 : memref<1x1600xf32, #tpu.memory_space<vmem>> -> memref<1600xf32, #tpu.memory_space<vmem>>
        %dma_start3A_155 = tpu.memref_slice %arg2[%dma_start3A_145, %mul3A_13] : memref<16x1000000xf32, #tpu.memory_space<hbm>> -> memref<1x1600xf32, #tpu.memory_space<hbm>>
        %dma_start3A_156 = tpu.memref_squeeze %dma_start3A_155 : memref<1x1600xf32, #tpu.memory_space<hbm>> -> memref<1600xf32, #tpu.memory_space<hbm>>
        tpu.enqueue_dma source(%dma_start3A_156 : memref<1600xf32, #tpu.memory_space<hbm>>) target(%dma_start3A_154 : memref<1600xf32, #tpu.memory_space<vmem>>) target_semaphore(%arg6 : memref<!tpu.dma_semaphore, #tpu.memory_space<semaphore_mem>>)
        %dma_start3A_157 = arith.constant 12 : i32
        %dma_start3A_158 = arith.constant 12 : i32
        %dma_start3A_159 = arith.constant 0 : i32
        %dma_start3A_160 = tpu.memref_slice %arg4[%dma_start3A_158, %dma_start3A_159] : memref<16x1600xf32, #tpu.memory_space<vmem>> -> memref<1x1600xf32, #tpu.memory_space<vmem>>
        %dma_start3A_161 = tpu.memref_squeeze %dma_start3A_160 : memref<1x1600xf32, #tpu.memory_space<vmem>> -> memref<1600xf32, #tpu.memory_space<vmem>>
        %dma_start3A_162 = tpu.memref_slice %arg2[%dma_start3A_157, %mul3A_13] : memref<16x1000000xf32, #tpu.memory_space<hbm>> -> memref<1x1600xf32, #tpu.memory_space<hbm>>
        %dma_start3A_163 = tpu.memref_squeeze %dma_start3A_162 : memref<1x1600xf32, #tpu.memory_space<hbm>> -> memref<1600xf32, #tpu.memory_space<hbm>>
        %dma_start3A_164 = arith.constant 0 : i32
        %dma_start3A_165 = tpu.memref_slice %arg4[%dma_start3A_158, %dma_start3A_164] : memref<16x1600xf32, #tpu.memory_space<vmem>> -> memref<1x1600xf32, #tpu.memory_space<vmem>>
        %dma_start3A_166 = tpu.memref_squeeze %dma_start3A_165 : memref<1x1600xf32, #tpu.memory_space<vmem>> -> memref<1600xf32, #tpu.memory_space<vmem>>
        %dma_start3A_167 = tpu.memref_slice %arg2[%dma_start3A_157, %mul3A_13] : memref<16x1000000xf32, #tpu.memory_space<hbm>> -> memref<1x1600xf32, #tpu.memory_space<hbm>>
        %dma_start3A_168 = tpu.memref_squeeze %dma_start3A_167 : memref<1x1600xf32, #tpu.memory_space<hbm>> -> memref<1600xf32, #tpu.memory_space<hbm>>
        tpu.enqueue_dma source(%dma_start3A_168 : memref<1600xf32, #tpu.memory_space<hbm>>) target(%dma_start3A_166 : memref<1600xf32, #tpu.memory_space<vmem>>) target_semaphore(%arg6 : memref<!tpu.dma_semaphore, #tpu.memory_space<semaphore_mem>>)
        %dma_start3A_169 = arith.constant 13 : i32
        %dma_start3A_170 = arith.constant 13 : i32
        %dma_start3A_171 = arith.constant 0 : i32
        %dma_start3A_172 = tpu.memref_slice %arg4[%dma_start3A_170, %dma_start3A_171] : memref<16x1600xf32, #tpu.memory_space<vmem>> -> memref<1x1600xf32, #tpu.memory_space<vmem>>
        %dma_start3A_173 = tpu.memref_squeeze %dma_start3A_172 : memref<1x1600xf32, #tpu.memory_space<vmem>> -> memref<1600xf32, #tpu.memory_space<vmem>>
        %dma_start3A_174 = tpu.memref_slice %arg2[%dma_start3A_169, %mul3A_13] : memref<16x1000000xf32, #tpu.memory_space<hbm>> -> memref<1x1600xf32, #tpu.memory_space<hbm>>
        %dma_start3A_175 = tpu.memref_squeeze %dma_start3A_174 : memref<1x1600xf32, #tpu.memory_space<hbm>> -> memref<1600xf32, #tpu.memory_space<hbm>>
        %dma_start3A_176 = arith.constant 0 : i32
        %dma_start3A_177 = tpu.memref_slice %arg4[%dma_start3A_170, %dma_start3A_176] : memref<16x1600xf32, #tpu.memory_space<vmem>> -> memref<1x1600xf32, #tpu.memory_space<vmem>>
        %dma_start3A_178 = tpu.memref_squeeze %dma_start3A_177 : memref<1x1600xf32, #tpu.memory_space<vmem>> -> memref<1600xf32, #tpu.memory_space<vmem>>
        %dma_start3A_179 = tpu.memref_slice %arg2[%dma_start3A_169, %mul3A_13] : memref<16x1000000xf32, #tpu.memory_space<hbm>> -> memref<1x1600xf32, #tpu.memory_space<hbm>>
        %dma_start3A_180 = tpu.memref_squeeze %dma_start3A_179 : memref<1x1600xf32, #tpu.memory_space<hbm>> -> memref<1600xf32, #tpu.memory_space<hbm>>
        tpu.enqueue_dma source(%dma_start3A_180 : memref<1600xf32, #tpu.memory_space<hbm>>) target(%dma_start3A_178 : memref<1600xf32, #tpu.memory_space<vmem>>) target_semaphore(%arg6 : memref<!tpu.dma_semaphore, #tpu.memory_space<semaphore_mem>>)
        %dma_start3A_181 = arith.constant 14 : i32
        %dma_start3A_182 = arith.constant 14 : i32
        %dma_start3A_183 = arith.constant 0 : i32
        %dma_start3A_184 = tpu.memref_slice %arg4[%dma_start3A_182, %dma_start3A_183] : memref<16x1600xf32, #tpu.memory_space<vmem>> -> memref<1x1600xf32, #tpu.memory_space<vmem>>
        %dma_start3A_185 = tpu.memref_squeeze %dma_start3A_184 : memref<1x1600xf32, #tpu.memory_space<vmem>> -> memref<1600xf32, #tpu.memory_space<vmem>>
        %dma_start3A_186 = tpu.memref_slice %arg2[%dma_start3A_181, %mul3A_13] : memref<16x1000000xf32, #tpu.memory_space<hbm>> -> memref<1x1600xf32, #tpu.memory_space<hbm>>
        %dma_start3A_187 = tpu.memref_squeeze %dma_start3A_186 : memref<1x1600xf32, #tpu.memory_space<hbm>> -> memref<1600xf32, #tpu.memory_space<hbm>>
        %dma_start3A_188 = arith.constant 0 : i32
        %dma_start3A_189 = tpu.memref_slice %arg4[%dma_start3A_182, %dma_start3A_188] : memref<16x1600xf32, #tpu.memory_space<vmem>> -> memref<1x1600xf32, #tpu.memory_space<vmem>>
        %dma_start3A_190 = tpu.memref_squeeze %dma_start3A_189 : memref<1x1600xf32, #tpu.memory_space<vmem>> -> memref<1600xf32, #tpu.memory_space<vmem>>
        %dma_start3A_191 = tpu.memref_slice %arg2[%dma_start3A_181, %mul3A_13] : memref<16x1000000xf32, #tpu.memory_space<hbm>> -> memref<1x1600xf32, #tpu.memory_space<hbm>>
        %dma_start3A_192 = tpu.memref_squeeze %dma_start3A_191 : memref<1x1600xf32, #tpu.memory_space<hbm>> -> memref<1600xf32, #tpu.memory_space<hbm>>
        tpu.enqueue_dma source(%dma_start3A_192 : memref<1600xf32, #tpu.memory_space<hbm>>) target(%dma_start3A_190 : memref<1600xf32, #tpu.memory_space<vmem>>) target_semaphore(%arg6 : memref<!tpu.dma_semaphore, #tpu.memory_space<semaphore_mem>>)
        %dma_start3A_193 = arith.constant 15 : i32
        %dma_start3A_194 = arith.constant 15 : i32
        %dma_start3A_195 = arith.constant 0 : i32
        %dma_start3A_196 = tpu.memref_slice %arg4[%dma_start3A_194, %dma_start3A_195] : memref<16x1600xf32, #tpu.memory_space<vmem>> -> memref<1x1600xf32, #tpu.memory_space<vmem>>
        %dma_start3A_197 = tpu.memref_squeeze %dma_start3A_196 : memref<1x1600xf32, #tpu.memory_space<vmem>> -> memref<1600xf32, #tpu.memory_space<vmem>>
        %dma_start3A_198 = tpu.memref_slice %arg2[%dma_start3A_193, %mul3A_13] : memref<16x1000000xf32, #tpu.memory_space<hbm>> -> memref<1x1600xf32, #tpu.memory_space<hbm>>
        %dma_start3A_199 = tpu.memref_squeeze %dma_start3A_198 : memref<1x1600xf32, #tpu.memory_space<hbm>> -> memref<1600xf32, #tpu.memory_space<hbm>>
        %dma_start3A_200 = arith.constant 0 : i32
        %dma_start3A_201 = tpu.memref_slice %arg4[%dma_start3A_194, %dma_start3A_200] : memref<16x1600xf32, #tpu.memory_space<vmem>> -> memref<1x1600xf32, #tpu.memory_space<vmem>>
        %dma_start3A_202 = tpu.memref_squeeze %dma_start3A_201 : memref<1x1600xf32, #tpu.memory_space<vmem>> -> memref<1600xf32, #tpu.memory_space<vmem>>
        %dma_start3A_203 = tpu.memref_slice %arg2[%dma_start3A_193, %mul3A_13] : memref<16x1000000xf32, #tpu.memory_space<hbm>> -> memref<1x1600xf32, #tpu.memory_space<hbm>>
        %dma_start3A_204 = tpu.memref_squeeze %dma_start3A_203 : memref<1x1600xf32, #tpu.memory_space<hbm>> -> memref<1600xf32, #tpu.memory_space<hbm>>
        tpu.enqueue_dma source(%dma_start3A_204 : memref<1600xf32, #tpu.memory_space<hbm>>) target(%dma_start3A_202 : memref<1600xf32, #tpu.memory_space<vmem>>) target_semaphore(%arg6 : memref<!tpu.dma_semaphore, #tpu.memory_space<semaphore_mem>>)
        %dma_wait3A = arith.constant 0 : i32
        %dma_wait3A_205 = arith.constant 0 : i32
        %dma_wait3A_206 = tpu.memref_slice %arg2[%dma_wait3A, %dma_wait3A_205] : memref<16x1000000xf32, #tpu.memory_space<hbm>> -> memref<16x1600xf32, #tpu.memory_space<hbm>>
        %dma_wait3A_207 = arith.constant 0 : i32
        %dma_wait3A_208 = arith.constant 0 : i32
        %dma_wait3A_209 = tpu.memref_slice %arg2[%dma_wait3A_207, %dma_wait3A_208] : memref<16x1000000xf32, #tpu.memory_space<hbm>> -> memref<16x1600xf32, #tpu.memory_space<hbm>>
        tpu.wait_dma2 semaphore(%arg6 : memref<!tpu.dma_semaphore, #tpu.memory_space<semaphore_mem>>) src(%dma_wait3A_209 : memref<16x1600xf32, #tpu.memory_space<hbm>>) dst(%arg4 : memref<16x1600xf32, #tpu.memory_space<vmem>>)
        %broadcast_in_dim3A = arith.constant 0 : i32
        %broadcast_in_dim3A_210 = vector.broadcast %broadcast_in_dim3A : i32 to vector<16xi32>
        %broadcast_in_dim3A_211 = arith.constant 1 : i32
        %broadcast_in_dim3A_212 = vector.broadcast %broadcast_in_dim3A_211 : i32 to vector<16xi32>
        %broadcast_in_dim3A_213 = arith.constant 2 : i32
        %broadcast_in_dim3A_214 = vector.broadcast %broadcast_in_dim3A_213 : i32 to vector<16xi32>
        %broadcast_in_dim3A_215 = arith.constant 3 : i32
        %broadcast_in_dim3A_216 = vector.broadcast %broadcast_in_dim3A_215 : i32 to vector<16xi32>
        %scan3A_217 = arith.constant 0 : i32
        %scan3A_218 = arith.constant 100 : i32
        %scan3A_219 = arith.addi %scan3A_217, %scan3A_218 : i32
        %scan3A_220 = arith.constant 2 : i32
        %scan3A_221 = scf.for %scan3A_265 = %scan3A_217 to %scan3A_219 step %scan3A_220 iter_args(%scan3A_266 = %iota3A) -> (vector<16xi32>)  : i32 {
          %mul3A_267 = arith.constant 16 : i32
          %mul3A_268 = arith.muli %scan3A_265, %mul3A_267 : i32
          %get3A = arith.constant 0 : i32
          %get3A_269 = arith.index_cast %get3A : i32 to index
          %get3A_270 = arith.index_cast %mul3A_268 : i32 to index
          %get3A_271 = tpu.vector_load %arg4[%get3A_269, %get3A_270] {strides = array<i32>} : memref<16x1600xf32, #tpu.memory_space<vmem>>, vector<16xf32>,
          %mul3A_272 = arith.constant 16 : i32
          %mul3A_273 = arith.muli %scan3A_265, %mul3A_272 : i32
          %get3A_274 = arith.constant 1 : i32
          %get3A_275 = arith.index_cast %get3A_274 : i32 to index
          %get3A_276 = arith.index_cast %mul3A_273 : i32 to index
          %get3A_277 = tpu.vector_load %arg4[%get3A_275, %get3A_276] {strides = array<i32>} : memref<16x1600xf32, #tpu.memory_space<vmem>>, vector<16xf32>,
          %mul3A_278 = arith.constant 16 : i32
          %mul3A_279 = arith.muli %scan3A_265, %mul3A_278 : i32
          %get3A_280 = arith.constant 2 : i32
          %get3A_281 = arith.index_cast %get3A_280 : i32 to index
          %get3A_282 = arith.index_cast %mul3A_279 : i32 to index
          %get3A_283 = tpu.vector_load %arg4[%get3A_281, %get3A_282] {strides = array<i32>} : memref<16x1600xf32, #tpu.memory_space<vmem>>, vector<16xf32>,
          %mul3A_284 = arith.constant 16 : i32
          %mul3A_285 = arith.muli %scan3A_265, %mul3A_284 : i32
          %get3A_286 = arith.constant 3 : i32
          %get3A_287 = arith.index_cast %get3A_286 : i32 to index
          %get3A_288 = arith.index_cast %mul3A_285 : i32 to index
          %get3A_289 = tpu.vector_load %arg4[%get3A_287, %get3A_288] {strides = array<i32>} : memref<16x1600xf32, #tpu.memory_space<vmem>>, vector<16xf32>,
          tpu.vector_store_idx %arg5[%scan3A_266, %broadcast_in_dim3A_210], %get3A_271 : memref<1600x16xf32, #tpu.memory_space<vmem>>[vector<16xi32>, vector<16xi32>], vector<16xf32>,
          tpu.vector_store_idx %arg5[%scan3A_266, %broadcast_in_dim3A_212], %get3A_277 : memref<1600x16xf32, #tpu.memory_space<vmem>>[vector<16xi32>, vector<16xi32>], vector<16xf32>,
          tpu.vector_store_idx %arg5[%scan3A_266, %broadcast_in_dim3A_214], %get3A_283 : memref<1600x16xf32, #tpu.memory_space<vmem>>[vector<16xi32>, vector<16xi32>], vector<16xf32>,
          tpu.vector_store_idx %arg5[%scan3A_266, %broadcast_in_dim3A_216], %get3A_289 : memref<1600x16xf32, #tpu.memory_space<vmem>>[vector<16xi32>, vector<16xi32>], vector<16xf32>,
          %add3A_290 = arith.constant 16 : i32
          %add3A_291 = vector.broadcast %add3A_290 : i32 to vector<16xi32>
          %add3A_292 = arith.addi %scan3A_266, %add3A_291 : vector<16xi32>
          %scan3A_293 = arith.constant 1 : i32
          %scan3A_294 = arith.addi %scan3A_265, %scan3A_293 : i32
          %mul3A_295 = arith.constant 16 : i32
          %mul3A_296 = arith.muli %scan3A_294, %mul3A_295 : i32
          %get3A_297 = arith.constant 0 : i32
          %get3A_298 = arith.index_cast %get3A_297 : i32 to index
          %get3A_299 = arith.index_cast %mul3A_296 : i32 to index
          %get3A_300 = tpu.vector_load %arg4[%get3A_298, %get3A_299] {strides = array<i32>} : memref<16x1600xf32, #tpu.memory_space<vmem>>, vector<16xf32>,
          %mul3A_301 = arith.constant 16 : i32
          %mul3A_302 = arith.muli %scan3A_294, %mul3A_301 : i32
          %get3A_303 = arith.constant 1 : i32
          %get3A_304 = arith.index_cast %get3A_303 : i32 to index
          %get3A_305 = arith.index_cast %mul3A_302 : i32 to index
          %get3A_306 = tpu.vector_load %arg4[%get3A_304, %get3A_305] {strides = array<i32>} : memref<16x1600xf32, #tpu.memory_space<vmem>>, vector<16xf32>,
          %mul3A_307 = arith.constant 16 : i32
          %mul3A_308 = arith.muli %scan3A_294, %mul3A_307 : i32
          %get3A_309 = arith.constant 2 : i32
          %get3A_310 = arith.index_cast %get3A_309 : i32 to index
          %get3A_311 = arith.index_cast %mul3A_308 : i32 to index
          %get3A_312 = tpu.vector_load %arg4[%get3A_310, %get3A_311] {strides = array<i32>} : memref<16x1600xf32, #tpu.memory_space<vmem>>, vector<16xf32>,
          %mul3A_313 = arith.constant 16 : i32
          %mul3A_314 = arith.muli %scan3A_294, %mul3A_313 : i32
          %get3A_315 = arith.constant 3 : i32
          %get3A_316 = arith.index_cast %get3A_315 : i32 to index
          %get3A_317 = arith.index_cast %mul3A_314 : i32 to index
          %get3A_318 = tpu.vector_load %arg4[%get3A_316, %get3A_317] {strides = array<i32>} : memref<16x1600xf32, #tpu.memory_space<vmem>>, vector<16xf32>,
          tpu.vector_store_idx %arg5[%add3A_292, %broadcast_in_dim3A_210], %get3A_300 : memref<1600x16xf32, #tpu.memory_space<vmem>>[vector<16xi32>, vector<16xi32>], vector<16xf32>,
          tpu.vector_store_idx %arg5[%add3A_292, %broadcast_in_dim3A_212], %get3A_306 : memref<1600x16xf32, #tpu.memory_space<vmem>>[vector<16xi32>, vector<16xi32>], vector<16xf32>,
          tpu.vector_store_idx %arg5[%add3A_292, %broadcast_in_dim3A_214], %get3A_312 : memref<1600x16xf32, #tpu.memory_space<vmem>>[vector<16xi32>, vector<16xi32>], vector<16xf32>,
          tpu.vector_store_idx %arg5[%add3A_292, %broadcast_in_dim3A_216], %get3A_318 : memref<1600x16xf32, #tpu.memory_space<vmem>>[vector<16xi32>, vector<16xi32>], vector<16xf32>,
          %add3A_319 = arith.constant 16 : i32
          %add3A_320 = vector.broadcast %add3A_319 : i32 to vector<16xi32>
          %add3A_321 = arith.addi %add3A_292, %add3A_320 : vector<16xi32>
          scf.yield %add3A_321 : vector<16xi32>
        }
        %scan3A_222 = arith.constant 100 : i32
        %broadcast_in_dim3A_223 = arith.constant 4 : i32
        %broadcast_in_dim3A_224 = vector.broadcast %broadcast_in_dim3A_223 : i32 to vector<16xi32>
        %broadcast_in_dim3A_225 = arith.constant 5 : i32
        %broadcast_in_dim3A_226 = vector.broadcast %broadcast_in_dim3A_225 : i32 to vector<16xi32>
        %broadcast_in_dim3A_227 = arith.constant 6 : i32
        %broadcast_in_dim3A_228 = vector.broadcast %broadcast_in_dim3A_227 : i32 to vector<16xi32>
        %broadcast_in_dim3A_229 = arith.constant 7 : i32
        %broadcast_in_dim3A_230 = vector.broadcast %broadcast_in_dim3A_229 : i32 to vector<16xi32>
        %scan3A_231 = arith.constant 0 : i32
        %scan3A_232 = arith.constant 100 : i32
        %scan3A_233 = arith.addi %scan3A_231, %scan3A_232 : i32
        %scan3A_234 = arith.constant 2 : i32
        %scan3A_235 = scf.for %scan3A_265 = %scan3A_231 to %scan3A_233 step %scan3A_234 iter_args(%scan3A_266 = %iota3A) -> (vector<16xi32>)  : i32 {
          %mul3A_267 = arith.constant 16 : i32
          %mul3A_268 = arith.muli %scan3A_265, %mul3A_267 : i32
          %get3A = arith.constant 4 : i32
          %get3A_269 = arith.index_cast %get3A : i32 to index
          %get3A_270 = arith.index_cast %mul3A_268 : i32 to index
          %get3A_271 = tpu.vector_load %arg4[%get3A_269, %get3A_270] {strides = array<i32>} : memref<16x1600xf32, #tpu.memory_space<vmem>>, vector<16xf32>,
          %mul3A_272 = arith.constant 16 : i32
          %mul3A_273 = arith.muli %scan3A_265, %mul3A_272 : i32
          %get3A_274 = arith.constant 5 : i32
          %get3A_275 = arith.index_cast %get3A_274 : i32 to index
          %get3A_276 = arith.index_cast %mul3A_273 : i32 to index
          %get3A_277 = tpu.vector_load %arg4[%get3A_275, %get3A_276] {strides = array<i32>} : memref<16x1600xf32, #tpu.memory_space<vmem>>, vector<16xf32>,
          %mul3A_278 = arith.constant 16 : i32
          %mul3A_279 = arith.muli %scan3A_265, %mul3A_278 : i32
          %get3A_280 = arith.constant 6 : i32
          %get3A_281 = arith.index_cast %get3A_280 : i32 to index
          %get3A_282 = arith.index_cast %mul3A_279 : i32 to index
          %get3A_283 = tpu.vector_load %arg4[%get3A_281, %get3A_282] {strides = array<i32>} : memref<16x1600xf32, #tpu.memory_space<vmem>>, vector<16xf32>,
          %mul3A_284 = arith.constant 16 : i32
          %mul3A_285 = arith.muli %scan3A_265, %mul3A_284 : i32
          %get3A_286 = arith.constant 7 : i32
          %get3A_287 = arith.index_cast %get3A_286 : i32 to index
          %get3A_288 = arith.index_cast %mul3A_285 : i32 to index
          %get3A_289 = tpu.vector_load %arg4[%get3A_287, %get3A_288] {strides = array<i32>} : memref<16x1600xf32, #tpu.memory_space<vmem>>, vector<16xf32>,
          tpu.vector_store_idx %arg5[%scan3A_266, %broadcast_in_dim3A_224], %get3A_271 : memref<1600x16xf32, #tpu.memory_space<vmem>>[vector<16xi32>, vector<16xi32>], vector<16xf32>,
          tpu.vector_store_idx %arg5[%scan3A_266, %broadcast_in_dim3A_226], %get3A_277 : memref<1600x16xf32, #tpu.memory_space<vmem>>[vector<16xi32>, vector<16xi32>], vector<16xf32>,
          tpu.vector_store_idx %arg5[%scan3A_266, %broadcast_in_dim3A_228], %get3A_283 : memref<1600x16xf32, #tpu.memory_space<vmem>>[vector<16xi32>, vector<16xi32>], vector<16xf32>,
          tpu.vector_store_idx %arg5[%scan3A_266, %broadcast_in_dim3A_230], %get3A_289 : memref<1600x16xf32, #tpu.memory_space<vmem>>[vector<16xi32>, vector<16xi32>], vector<16xf32>,
          %add3A_290 = arith.constant 16 : i32
          %add3A_291 = vector.broadcast %add3A_290 : i32 to vector<16xi32>
          %add3A_292 = arith.addi %scan3A_266, %add3A_291 : vector<16xi32>
          %scan3A_293 = arith.constant 1 : i32
          %scan3A_294 = arith.addi %scan3A_265, %scan3A_293 : i32
          %mul3A_295 = arith.constant 16 : i32
          %mul3A_296 = arith.muli %scan3A_294, %mul3A_295 : i32
          %get3A_297 = arith.constant 4 : i32
          %get3A_298 = arith.index_cast %get3A_297 : i32 to index
          %get3A_299 = arith.index_cast %mul3A_296 : i32 to index
          %get3A_300 = tpu.vector_load %arg4[%get3A_298, %get3A_299] {strides = array<i32>} : memref<16x1600xf32, #tpu.memory_space<vmem>>, vector<16xf32>,
          %mul3A_301 = arith.constant 16 : i32
          %mul3A_302 = arith.muli %scan3A_294, %mul3A_301 : i32
          %get3A_303 = arith.constant 5 : i32
          %get3A_304 = arith.index_cast %get3A_303 : i32 to index
          %get3A_305 = arith.index_cast %mul3A_302 : i32 to index
          %get3A_306 = tpu.vector_load %arg4[%get3A_304, %get3A_305] {strides = array<i32>} : memref<16x1600xf32, #tpu.memory_space<vmem>>, vector<16xf32>,
          %mul3A_307 = arith.constant 16 : i32
          %mul3A_308 = arith.muli %scan3A_294, %mul3A_307 : i32
          %get3A_309 = arith.constant 6 : i32
          %get3A_310 = arith.index_cast %get3A_309 : i32 to index
          %get3A_311 = arith.index_cast %mul3A_308 : i32 to index
          %get3A_312 = tpu.vector_load %arg4[%get3A_310, %get3A_311] {strides = array<i32>} : memref<16x1600xf32, #tpu.memory_space<vmem>>, vector<16xf32>,
          %mul3A_313 = arith.constant 16 : i32
          %mul3A_314 = arith.muli %scan3A_294, %mul3A_313 : i32
          %get3A_315 = arith.constant 7 : i32
          %get3A_316 = arith.index_cast %get3A_315 : i32 to index
          %get3A_317 = arith.index_cast %mul3A_314 : i32 to index
          %get3A_318 = tpu.vector_load %arg4[%get3A_316, %get3A_317] {strides = array<i32>} : memref<16x1600xf32, #tpu.memory_space<vmem>>, vector<16xf32>,
          tpu.vector_store_idx %arg5[%add3A_292, %broadcast_in_dim3A_224], %get3A_300 : memref<1600x16xf32, #tpu.memory_space<vmem>>[vector<16xi32>, vector<16xi32>], vector<16xf32>,
          tpu.vector_store_idx %arg5[%add3A_292, %broadcast_in_dim3A_226], %get3A_306 : memref<1600x16xf32, #tpu.memory_space<vmem>>[vector<16xi32>, vector<16xi32>], vector<16xf32>,
          tpu.vector_store_idx %arg5[%add3A_292, %broadcast_in_dim3A_228], %get3A_312 : memref<1600x16xf32, #tpu.memory_space<vmem>>[vector<16xi32>, vector<16xi32>], vector<16xf32>,
          tpu.vector_store_idx %arg5[%add3A_292, %broadcast_in_dim3A_230], %get3A_318 : memref<1600x16xf32, #tpu.memory_space<vmem>>[vector<16xi32>, vector<16xi32>], vector<16xf32>,
          %add3A_319 = arith.constant 16 : i32
          %add3A_320 = vector.broadcast %add3A_319 : i32 to vector<16xi32>
          %add3A_321 = arith.addi %add3A_292, %add3A_320 : vector<16xi32>
          scf.yield %add3A_321 : vector<16xi32>
        }
        %scan3A_236 = arith.constant 100 : i32
        %broadcast_in_dim3A_237 = arith.constant 8 : i32
        %broadcast_in_dim3A_238 = vector.broadcast %broadcast_in_dim3A_237 : i32 to vector<16xi32>
        %broadcast_in_dim3A_239 = arith.constant 9 : i32
        %broadcast_in_dim3A_240 = vector.broadcast %broadcast_in_dim3A_239 : i32 to vector<16xi32>
        %broadcast_in_dim3A_241 = arith.constant 10 : i32
        %broadcast_in_dim3A_242 = vector.broadcast %broadcast_in_dim3A_241 : i32 to vector<16xi32>
        %broadcast_in_dim3A_243 = arith.constant 11 : i32
        %broadcast_in_dim3A_244 = vector.broadcast %broadcast_in_dim3A_243 : i32 to vector<16xi32>
        %scan3A_245 = arith.constant 0 : i32
        %scan3A_246 = arith.constant 100 : i32
        %scan3A_247 = arith.addi %scan3A_245, %scan3A_246 : i32
        %scan3A_248 = arith.constant 2 : i32
        %scan3A_249 = scf.for %scan3A_265 = %scan3A_245 to %scan3A_247 step %scan3A_248 iter_args(%scan3A_266 = %iota3A) -> (vector<16xi32>)  : i32 {
          %mul3A_267 = arith.constant 16 : i32
          %mul3A_268 = arith.muli %scan3A_265, %mul3A_267 : i32
          %get3A = arith.constant 8 : i32
          %get3A_269 = arith.index_cast %get3A : i32 to index
          %get3A_270 = arith.index_cast %mul3A_268 : i32 to index
          %get3A_271 = tpu.vector_load %arg4[%get3A_269, %get3A_270] {strides = array<i32>} : memref<16x1600xf32, #tpu.memory_space<vmem>>, vector<16xf32>,
          %mul3A_272 = arith.constant 16 : i32
          %mul3A_273 = arith.muli %scan3A_265, %mul3A_272 : i32
          %get3A_274 = arith.constant 9 : i32
          %get3A_275 = arith.index_cast %get3A_274 : i32 to index
          %get3A_276 = arith.index_cast %mul3A_273 : i32 to index
          %get3A_277 = tpu.vector_load %arg4[%get3A_275, %get3A_276] {strides = array<i32>} : memref<16x1600xf32, #tpu.memory_space<vmem>>, vector<16xf32>,
          %mul3A_278 = arith.constant 16 : i32
          %mul3A_279 = arith.muli %scan3A_265, %mul3A_278 : i32
          %get3A_280 = arith.constant 10 : i32
          %get3A_281 = arith.index_cast %get3A_280 : i32 to index
          %get3A_282 = arith.index_cast %mul3A_279 : i32 to index
          %get3A_283 = tpu.vector_load %arg4[%get3A_281, %get3A_282] {strides = array<i32>} : memref<16x1600xf32, #tpu.memory_space<vmem>>, vector<16xf32>,
          %mul3A_284 = arith.constant 16 : i32
          %mul3A_285 = arith.muli %scan3A_265, %mul3A_284 : i32
          %get3A_286 = arith.constant 11 : i32
          %get3A_287 = arith.index_cast %get3A_286 : i32 to index
          %get3A_288 = arith.index_cast %mul3A_285 : i32 to index
          %get3A_289 = tpu.vector_load %arg4[%get3A_287, %get3A_288] {strides = array<i32>} : memref<16x1600xf32, #tpu.memory_space<vmem>>, vector<16xf32>,
          tpu.vector_store_idx %arg5[%scan3A_266, %broadcast_in_dim3A_238], %get3A_271 : memref<1600x16xf32, #tpu.memory_space<vmem>>[vector<16xi32>, vector<16xi32>], vector<16xf32>,
          tpu.vector_store_idx %arg5[%scan3A_266, %broadcast_in_dim3A_240], %get3A_277 : memref<1600x16xf32, #tpu.memory_space<vmem>>[vector<16xi32>, vector<16xi32>], vector<16xf32>,
          tpu.vector_store_idx %arg5[%scan3A_266, %broadcast_in_dim3A_242], %get3A_283 : memref<1600x16xf32, #tpu.memory_space<vmem>>[vector<16xi32>, vector<16xi32>], vector<16xf32>,
          tpu.vector_store_idx %arg5[%scan3A_266, %broadcast_in_dim3A_244], %get3A_289 : memref<1600x16xf32, #tpu.memory_space<vmem>>[vector<16xi32>, vector<16xi32>], vector<16xf32>,
          %add3A_290 = arith.constant 16 : i32
          %add3A_291 = vector.broadcast %add3A_290 : i32 to vector<16xi32>
          %add3A_292 = arith.addi %scan3A_266, %add3A_291 : vector<16xi32>
          %scan3A_293 = arith.constant 1 : i32
          %scan3A_294 = arith.addi %scan3A_265, %scan3A_293 : i32
          %mul3A_295 = arith.constant 16 : i32
          %mul3A_296 = arith.muli %scan3A_294, %mul3A_295 : i32
          %get3A_297 = arith.constant 8 : i32
          %get3A_298 = arith.index_cast %get3A_297 : i32 to index
          %get3A_299 = arith.index_cast %mul3A_296 : i32 to index
          %get3A_300 = tpu.vector_load %arg4[%get3A_298, %get3A_299] {strides = array<i32>} : memref<16x1600xf32, #tpu.memory_space<vmem>>, vector<16xf32>,
          %mul3A_301 = arith.constant 16 : i32
          %mul3A_302 = arith.muli %scan3A_294, %mul3A_301 : i32
          %get3A_303 = arith.constant 9 : i32
          %get3A_304 = arith.index_cast %get3A_303 : i32 to index
          %get3A_305 = arith.index_cast %mul3A_302 : i32 to index
          %get3A_306 = tpu.vector_load %arg4[%get3A_304, %get3A_305] {strides = array<i32>} : memref<16x1600xf32, #tpu.memory_space<vmem>>, vector<16xf32>,
          %mul3A_307 = arith.constant 16 : i32
          %mul3A_308 = arith.muli %scan3A_294, %mul3A_307 : i32
          %get3A_309 = arith.constant 10 : i32
          %get3A_310 = arith.index_cast %get3A_309 : i32 to index
          %get3A_311 = arith.index_cast %mul3A_308 : i32 to index
          %get3A_312 = tpu.vector_load %arg4[%get3A_310, %get3A_311] {strides = array<i32>} : memref<16x1600xf32, #tpu.memory_space<vmem>>, vector<16xf32>,
          %mul3A_313 = arith.constant 16 : i32
          %mul3A_314 = arith.muli %scan3A_294, %mul3A_313 : i32
          %get3A_315 = arith.constant 11 : i32
          %get3A_316 = arith.index_cast %get3A_315 : i32 to index
          %get3A_317 = arith.index_cast %mul3A_314 : i32 to index
          %get3A_318 = tpu.vector_load %arg4[%get3A_316, %get3A_317] {strides = array<i32>} : memref<16x1600xf32, #tpu.memory_space<vmem>>, vector<16xf32>,
          tpu.vector_store_idx %arg5[%add3A_292, %broadcast_in_dim3A_238], %get3A_300 : memref<1600x16xf32, #tpu.memory_space<vmem>>[vector<16xi32>, vector<16xi32>], vector<16xf32>,
          tpu.vector_store_idx %arg5[%add3A_292, %broadcast_in_dim3A_240], %get3A_306 : memref<1600x16xf32, #tpu.memory_space<vmem>>[vector<16xi32>, vector<16xi32>], vector<16xf32>,
          tpu.vector_store_idx %arg5[%add3A_292, %broadcast_in_dim3A_242], %get3A_312 : memref<1600x16xf32, #tpu.memory_space<vmem>>[vector<16xi32>, vector<16xi32>], vector<16xf32>,
          tpu.vector_store_idx %arg5[%add3A_292, %broadcast_in_dim3A_244], %get3A_318 : memref<1600x16xf32, #tpu.memory_space<vmem>>[vector<16xi32>, vector<16xi32>], vector<16xf32>,
          %add3A_319 = arith.constant 16 : i32
          %add3A_320 = vector.broadcast %add3A_319 : i32 to vector<16xi32>
          %add3A_321 = arith.addi %add3A_292, %add3A_320 : vector<16xi32>
          scf.yield %add3A_321 : vector<16xi32>
        }
        %scan3A_250 = arith.constant 100 : i32
        %broadcast_in_dim3A_251 = arith.constant 12 : i32
        %broadcast_in_dim3A_252 = vector.broadcast %broadcast_in_dim3A_251 : i32 to vector<16xi32>
        %broadcast_in_dim3A_253 = arith.constant 13 : i32
        %broadcast_in_dim3A_254 = vector.broadcast %broadcast_in_dim3A_253 : i32 to vector<16xi32>
        %broadcast_in_dim3A_255 = arith.constant 14 : i32
        %broadcast_in_dim3A_256 = vector.broadcast %broadcast_in_dim3A_255 : i32 to vector<16xi32>
        %broadcast_in_dim3A_257 = arith.constant 15 : i32
        %broadcast_in_dim3A_258 = vector.broadcast %broadcast_in_dim3A_257 : i32 to vector<16xi32>
        %scan3A_259 = arith.constant 0 : i32
        %scan3A_260 = arith.constant 100 : i32
        %scan3A_261 = arith.addi %scan3A_259, %scan3A_260 : i32
        %scan3A_262 = arith.constant 2 : i32
        %scan3A_263 = scf.for %scan3A_265 = %scan3A_259 to %scan3A_261 step %scan3A_262 iter_args(%scan3A_266 = %iota3A) -> (vector<16xi32>)  : i32 {
          %mul3A_267 = arith.constant 16 : i32
          %mul3A_268 = arith.muli %scan3A_265, %mul3A_267 : i32
          %get3A = arith.constant 12 : i32
          %get3A_269 = arith.index_cast %get3A : i32 to index
          %get3A_270 = arith.index_cast %mul3A_268 : i32 to index
          %get3A_271 = tpu.vector_load %arg4[%get3A_269, %get3A_270] {strides = array<i32>} : memref<16x1600xf32, #tpu.memory_space<vmem>>, vector<16xf32>,
          %mul3A_272 = arith.constant 16 : i32
          %mul3A_273 = arith.muli %scan3A_265, %mul3A_272 : i32
          %get3A_274 = arith.constant 13 : i32
          %get3A_275 = arith.index_cast %get3A_274 : i32 to index
          %get3A_276 = arith.index_cast %mul3A_273 : i32 to index
          %get3A_277 = tpu.vector_load %arg4[%get3A_275, %get3A_276] {strides = array<i32>} : memref<16x1600xf32, #tpu.memory_space<vmem>>, vector<16xf32>,
          %mul3A_278 = arith.constant 16 : i32
          %mul3A_279 = arith.muli %scan3A_265, %mul3A_278 : i32
          %get3A_280 = arith.constant 14 : i32
          %get3A_281 = arith.index_cast %get3A_280 : i32 to index
          %get3A_282 = arith.index_cast %mul3A_279 : i32 to index
          %get3A_283 = tpu.vector_load %arg4[%get3A_281, %get3A_282] {strides = array<i32>} : memref<16x1600xf32, #tpu.memory_space<vmem>>, vector<16xf32>,
          %mul3A_284 = arith.constant 16 : i32
          %mul3A_285 = arith.muli %scan3A_265, %mul3A_284 : i32
          %get3A_286 = arith.constant 15 : i32
          %get3A_287 = arith.index_cast %get3A_286 : i32 to index
          %get3A_288 = arith.index_cast %mul3A_285 : i32 to index
          %get3A_289 = tpu.vector_load %arg4[%get3A_287, %get3A_288] {strides = array<i32>} : memref<16x1600xf32, #tpu.memory_space<vmem>>, vector<16xf32>,
          tpu.vector_store_idx %arg5[%scan3A_266, %broadcast_in_dim3A_252], %get3A_271 : memref<1600x16xf32, #tpu.memory_space<vmem>>[vector<16xi32>, vector<16xi32>], vector<16xf32>,
          tpu.vector_store_idx %arg5[%scan3A_266, %broadcast_in_dim3A_254], %get3A_277 : memref<1600x16xf32, #tpu.memory_space<vmem>>[vector<16xi32>, vector<16xi32>], vector<16xf32>,
          tpu.vector_store_idx %arg5[%scan3A_266, %broadcast_in_dim3A_256], %get3A_283 : memref<1600x16xf32, #tpu.memory_space<vmem>>[vector<16xi32>, vector<16xi32>], vector<16xf32>,
          tpu.vector_store_idx %arg5[%scan3A_266, %broadcast_in_dim3A_258], %get3A_289 : memref<1600x16xf32, #tpu.memory_space<vmem>>[vector<16xi32>, vector<16xi32>], vector<16xf32>,
          %add3A_290 = arith.constant 16 : i32
          %add3A_291 = vector.broadcast %add3A_290 : i32 to vector<16xi32>
          %add3A_292 = arith.addi %scan3A_266, %add3A_291 : vector<16xi32>
          %scan3A_293 = arith.constant 1 : i32
          %scan3A_294 = arith.addi %scan3A_265, %scan3A_293 : i32
          %mul3A_295 = arith.constant 16 : i32
          %mul3A_296 = arith.muli %scan3A_294, %mul3A_295 : i32
          %get3A_297 = arith.constant 12 : i32
          %get3A_298 = arith.index_cast %get3A_297 : i32 to index
          %get3A_299 = arith.index_cast %mul3A_296 : i32 to index
          %get3A_300 = tpu.vector_load %arg4[%get3A_298, %get3A_299] {strides = array<i32>} : memref<16x1600xf32, #tpu.memory_space<vmem>>, vector<16xf32>,
          %mul3A_301 = arith.constant 16 : i32
          %mul3A_302 = arith.muli %scan3A_294, %mul3A_301 : i32
          %get3A_303 = arith.constant 13 : i32
          %get3A_304 = arith.index_cast %get3A_303 : i32 to index
          %get3A_305 = arith.index_cast %mul3A_302 : i32 to index
          %get3A_306 = tpu.vector_load %arg4[%get3A_304, %get3A_305] {strides = array<i32>} : memref<16x1600xf32, #tpu.memory_space<vmem>>, vector<16xf32>,
          %mul3A_307 = arith.constant 16 : i32
          %mul3A_308 = arith.muli %scan3A_294, %mul3A_307 : i32
          %get3A_309 = arith.constant 14 : i32
          %get3A_310 = arith.index_cast %get3A_309 : i32 to index
          %get3A_311 = arith.index_cast %mul3A_308 : i32 to index
          %get3A_312 = tpu.vector_load %arg4[%get3A_310, %get3A_311] {strides = array<i32>} : memref<16x1600xf32, #tpu.memory_space<vmem>>, vector<16xf32>,
          %mul3A_313 = arith.constant 16 : i32
          %mul3A_314 = arith.muli %scan3A_294, %mul3A_313 : i32
          %get3A_315 = arith.constant 15 : i32
          %get3A_316 = arith.index_cast %get3A_315 : i32 to index
          %get3A_317 = arith.index_cast %mul3A_314 : i32 to index
          %get3A_318 = tpu.vector_load %arg4[%get3A_316, %get3A_317] {strides = array<i32>} : memref<16x1600xf32, #tpu.memory_space<vmem>>, vector<16xf32>,
          tpu.vector_store_idx %arg5[%add3A_292, %broadcast_in_dim3A_252], %get3A_300 : memref<1600x16xf32, #tpu.memory_space<vmem>>[vector<16xi32>, vector<16xi32>], vector<16xf32>,
          tpu.vector_store_idx %arg5[%add3A_292, %broadcast_in_dim3A_254], %get3A_306 : memref<1600x16xf32, #tpu.memory_space<vmem>>[vector<16xi32>, vector<16xi32>], vector<16xf32>,
          tpu.vector_store_idx %arg5[%add3A_292, %broadcast_in_dim3A_256], %get3A_312 : memref<1600x16xf32, #tpu.memory_space<vmem>>[vector<16xi32>, vector<16xi32>], vector<16xf32>,
          tpu.vector_store_idx %arg5[%add3A_292, %broadcast_in_dim3A_258], %get3A_318 : memref<1600x16xf32, #tpu.memory_space<vmem>>[vector<16xi32>, vector<16xi32>], vector<16xf32>,
          %add3A_319 = arith.constant 16 : i32
          %add3A_320 = vector.broadcast %add3A_319 : i32 to vector<16xi32>
          %add3A_321 = arith.addi %add3A_292, %add3A_320 : vector<16xi32>
          scf.yield %add3A_321 : vector<16xi32>
        }
        %scan3A_264 = arith.constant 100 : i32
        "tpu.region"() ({
          %run_scoped3A = tpu.sem_alloc : memref<!tpu.dma_semaphore, #tpu.memory_space<semaphore_mem>>
          %dma_start3A_265 = arith.constant 0 : i32
          %dma_start3A_266 = tpu.memref_slice %arg3[%mul3A_13, %dma_start3A_265] : memref<1000000x16xf32, #tpu.memory_space<hbm>> -> memref<1600x16xf32, #tpu.memory_space<hbm>>
          %dma_start3A_267 = arith.constant 0 : i32
          %dma_start3A_268 = tpu.memref_slice %arg3[%mul3A_13, %dma_start3A_267] : memref<1000000x16xf32, #tpu.memory_space<hbm>> -> memref<1600x16xf32, #tpu.memory_space<hbm>>
          tpu.enqueue_dma source(%arg5 : memref<1600x16xf32, #tpu.memory_space<vmem>>) target(%dma_start3A_268 : memref<1600x16xf32, #tpu.memory_space<hbm>>) target_semaphore(%run_scoped3A : memref<!tpu.dma_semaphore, #tpu.memory_space<semaphore_mem>>)
          %dma_wait3A_269 = arith.constant 0 : i32
          %dma_wait3A_270 = tpu.memref_slice %arg3[%mul3A_13, %dma_wait3A_269] : memref<1000000x16xf32, #tpu.memory_space<hbm>> -> memref<1600x16xf32, #tpu.memory_space<hbm>>
          %dma_wait3A_271 = arith.constant 0 : i32
          %dma_wait3A_272 = tpu.memref_slice %arg3[%mul3A_13, %dma_wait3A_271] : memref<1000000x16xf32, #tpu.memory_space<hbm>> -> memref<1600x16xf32, #tpu.memory_space<hbm>>
          tpu.wait_dma2 semaphore(%run_scoped3A : memref<!tpu.dma_semaphore, #tpu.memory_space<semaphore_mem>>) src(%arg5 : memref<1600x16xf32, #tpu.memory_space<vmem>>) dst(%dma_wait3A_272 : memref<1600x16xf32, #tpu.memory_space<hbm>>)
          tpu.yield
        }) : () -> ()
      } else {
      }
    }
    %scan3A_5 = arith.constant 20 : i32
    return
  }
}

</mosaic_0001>

<sc_bundles>
// kernel: _format_table.3.cloned.1.call-start
scs
__scs_entry_jumppad:
0x0: {  	(pc) =	sbr.rel $0x88, $3  }
0x1: {  	(tag) =	ssettag $0x0;
	lr =	simm.s32 $0x1  }
0x2: {  	[smem:$0x3FA0] =	sst lr;
	_ =	strace $0xD0000000  }
0x3: {  	_ = 	snop  }
0x4: {  	_ = 	snop  }
0x5: {  	_ = 	snop  }
0x6: {  	_ = 	snop  }
0x7: {  	_ = 	snop  }
__scs_overlays_trampoline_lowered:
0x8: {  	[smem:$0x3FAF] =	sst s0  }
0x9: {  	[smem:$0x3FB0] =	sst s1  }
0xa: {  	[smem:$0x3FB1] =	sst s2  }
0xb: {  	[smem:$0x3FB2] =	sst s3  }
0xc: {  	[smem:$0x3FB3] =	sst s4  }
0xd: {  	[smem:$0x3FB4] =	sst s5  }
0xe: {  	[smem:$0x3FB5] =	sst s6  }
0xf: {  	[smem:$0x3FB6] =	sst s7  }
0x10: {  	[smem:$0x3FB7] =	sst s8  }
0x11: {  	[smem:$0x3FB8] =	sst s9;
	s0 =	simm.s32 @!p0 $0x0  }
0x12: {  	s1 =	sld [smem:$0x3F9E];
	s0 =	simm.s32 @p0 $0x1  }
0x13: {  	[smem:$0x3FB9] =	sst s0;
	s0 =	simm.s32 @!p1 $0x0  }
0x14: {  	s2 =	sld [smem:$0x3F9D];
	s0 =	simm.s32 @p1 $0x1  }
0x15: {  	[smem:$0x3FBA] =	sst s0;
	s0 =	simm.s32 @!p2 $0x0  }
0x16: {  	s3 =	sld [smem:$0x3FDB];
	s0 =	simm.s32 @p2 $0x1  }
0x17: {  	s4 =	simm.s32 $0x1BF5;
	[smem:$0x3FBC] =	sst s0  }
0x18: {  	s0 =	sld [smem:$0x3F9F];
	_ =	swait.ge [sflag:s4], $0x0  }
0x19: {  	s7 =	sld [smem:$0x3FA0]  }
0x1a: {  	s8 =	sadd.s32 $0xFFFFE003, lr  }
0x1b: {  	s9 =	sadd.s32 $0xFFFFFEF7, lr;
	s5 =	simm.s32 $0xFFFFFFFF;
	p2 =	slt.u32 s8, $0xFFFFF086  }
0x1c: {  	p1 =	slt.u32 s9, $0xF7A;
	s5 =	simm.s32 @!p2 $0x0  }
0x1d: {  	s5 =	simm.s32 @p1 $0x1;
	p0 =	seq.s32 s7, s2  }
0x1e: {  	s7 =	smul.u32 @!p0 $0xF7A, s2;
	p2 =	seq.s32 @!p0 s5, $0x0  }
0x1f: {  	s9 =	smul.u32 $0xF7A, s1;
	s8 =	simm.s32 @!p0 $0x1BF5;
	p2 =	por !p2, p0  }
0x20: {  	[sflag:s8] =	ssyncset.s32 @!p0 $0xFFFFF086;
	s6 =	sadd.s32 @!p0 s3, s7;
	s7 =	simm.s32 @!p0 $0x108  }
0x21: {  	s3 =	sadd.s32 s3, s9;
	s6 =	sadd.s32 @!p0 $0x88, s6;
	s7 =	simm.s32 @p2 $0x1082  }
0x22: {  	[simem:s7], [sflag:s8] =	dma.local @!p0 [hbm:s6], $0xF7A  }
0x23: {  	s9 =	sor.u32 $0xD0000000, s2;
	s6 =	simm.s32 $0x108;
	_ =	swait.ge @!p0 [sflag:s8], $0x0  }
0x24: {  	s3 =	sadd.s32 $0x88, s3;
	s6 =	simm.s32 @!p1 $0x1082;
	[sflag:s4] =	ssyncset.s32 $0xFFFFF086  }
0x25: {  	[simem:s6], [sflag:s4] =	dma.local [hbm:s3], $0xF7A  }
0x26: {  	[smem:$0x3FA0] =	sst s1;
	(tag) =	ssettag s2;
	_ =	strace s9  }
0x27: {  	s1 =	sld [smem:$0x3FB0]  }
0x28: {  	s2 =	sld [smem:$0x3FB1]  }
0x29: {  	s4 =	sld [smem:$0x3FB3]  }
0x2a: {  	p0 =	seq.s32 s5, $0x0;
	s5 =	sld [smem:$0x3FB4]  }
0x2b: {  	s6 =	sld [smem:$0x3FB5]  }
0x2c: {  	s7 =	sld [smem:$0x3FB6]  }
0x2d: {  	s3 =	simm.s32 $0x108;
	s8 =	sld [smem:$0x3FB7]  }
0x2e: {  	s3 =	simm.s32 @!p0 $0x1082;
	s9 =	sld [smem:$0x3FB8]  }
0x2f: {  	lr =	sadd.s32 s0, s3;
	s0 =	sld [smem:$0x3FAF]  }
0x30: {  	s3 =	sld [smem:$0x3FB2]  }
0x31: {  	[smem:$0x3FBB] =	sst s10  }
0x32: {  	s10 =	sld [smem:$0x3FB9];
	_ =	sdelay $0x3  }
0x33: {  	p0 =	seq.s32 s10, $0x1;
	s10 =	sld [smem:$0x3FBB];
	_ =	sdelay $0x3  }
0x34: {  	[smem:$0x3FBB] =	sst s10  }
0x35: {  	s10 =	sld [smem:$0x3FBA];
	_ =	sdelay $0x3  }
0x36: {  	p1 =	seq.s32 s10, $0x1;
	s10 =	sld [smem:$0x3FBB];
	_ =	sdelay $0x3  }
0x37: {  	[smem:$0x3FBB] =	sst s10  }
0x38: {  	s10 =	sld [smem:$0x3FBC]  }
0x39: {  	_ = 	snop;
	(pc) =	sbr.ind lr, $3  }
0x3a: {  	_ = 	snop  }
0x3b: {  	_ = 	snop  }
0x3c: {  	p2 =	seq.s32 s10, $0x1;
	s10 =	sld [smem:$0x3FBB]  }
0x3d: {  	_ =	shalt  }
0x3e: {  	_ =	shalt  }
0x3f: {  	_ =	shalt  }
0x40: {  	_ =	shalt  }
0x41: {  	_ =	shalt  }
0x42: {  	_ =	shalt  }
0x43: {  	_ =	shalt  }
0x44: {  	_ =	shalt  }
0x45: {  	_ =	shalt  }
0x46: {  	_ =	shalt  }
0x47: {  	_ =	shalt  }
0x48: {  	_ =	shalt  }
0x49: {  	_ =	shalt  }
0x4a: {  	_ =	shalt  }
0x4b: {  	_ =	shalt  }
0x4c: {  	_ =	shalt  }
0x4d: {  	_ =	shalt  }
0x4e: {  	_ =	shalt  }
0x4f: {  	_ =	shalt  }
0x50: {  	_ =	shalt  }
0x51: {  	_ =	shalt  }
0x52: {  	_ =	shalt  }
0x53: {  	_ =	shalt  }
0x54: {  	_ =	shalt  }
0x55: {  	_ =	shalt  }
0x56: {  	_ =	shalt  }
0x57: {  	_ =	shalt  }
0x58: {  	_ =	shalt  }
0x59: {  	_ =	shalt  }
0x5a: {  	_ =	shalt  }
0x5b: {  	_ =	shalt  }
0x5c: {  	_ =	shalt  }
0x5d: {  	_ =	shalt  }
0x5e: {  	_ =	shalt  }
0x5f: {  	_ =	shalt  }
0x60: {  	_ =	shalt  }
0x61: {  	_ =	shalt  }
0x62: {  	_ =	shalt  }
0x63: {  	_ =	shalt  }
0x64: {  	_ =	shalt  }
0x65: {  	_ =	shalt  }
0x66: {  	_ =	shalt  }
0x67: {  	_ =	shalt  }
0x68: {  	_ =	shalt  }
0x69: {  	_ =	shalt  }
0x6a: {  	_ =	shalt  }
0x6b: {  	_ =	shalt  }
0x6c: {  	_ =	shalt  }
0x6d: {  	_ =	shalt  }
0x6e: {  	_ =	shalt  }
0x6f: {  	_ =	shalt  }
0x70: {  	_ =	shalt  }
0x71: {  	_ =	shalt  }
0x72: {  	_ =	shalt  }
0x73: {  	_ =	shalt  }
0x74: {  	_ =	shalt  }
0x75: {  	_ =	shalt  }
0x76: {  	_ =	shalt  }
0x77: {  	_ =	shalt  }
0x78: {  	_ =	shalt  }
0x79: {  	_ =	shalt  }
0x7a: {  	_ =	shalt  }
0x7b: {  	_ =	shalt  }
0x7c: {  	_ =	shalt  }
0x7d: {  	_ =	shalt  }
0x7e: {  	_ =	shalt  }
0x7f: {  	_ =	shalt  }
0x80: {  	_ =	shalt  }
0x81: {  	_ =	shalt  }
0x82: {  	_ =	shalt  }
0x83: {  	_ =	shalt  }
0x84: {  	_ =	shalt  }
0x85: {  	_ =	shalt  }
0x86: {  	_ =	shalt  }
0x87: {  	_ =	shalt  }
.Lfunc_end0:
.L_simem_size_0:
called_computation.1_lowered:
.L_overlay_start_0:
0x88: {  	s2 =	sld [smem:$0x3FD9]  }
0x89: {  	s3 =	sld [smem:$0x3FFE];
	_ =	sdelay $0x1  }
0x8a: {  	s1 =	srdreg.scid  }
0x8b: {  	s0 =	sand.u32 $0x1, s1  }
0x8c: {  	s17 =	sshll.u32 s0, $0xA;
	s2 =	sadd.s32 s3, s2  }
0x8d: {  	s2 =	sadd.s32 s2, s17  }
0x8e: {  	[smem:$0x3FC7] =	sst s2  }
0x8f: {  	_ = 	snop  }
0x90: {  	s2 =	sld [smem:$0x3FD0];
	(tm) =	ssettm $0x1  }
0x91: {  	s18 =	sld [smem:$0x3FFB];
	_ =	sdelay $0x3  }
0x92: {  	_ =	strace s18  }
0x93: {  	s3 =	sld [smem:$0x3FFC];
	_ =	sdelay $0x3  }
0x94: {  	_ =	strace s3  }
0x95: {  	s3 =	sld [smem:$0x3FFD];
	_ =	sdelay $0x3  }
0x96: {  	_ =	strace s3  }
0x97: {  	_ =	strace $0x8FFFFFFF  }
0x98: {  	s19 =	sld [smem:$0x3FDB];
	_ =	sdelay $0x1  }
0x99: {  	s4 =	simm.s32 $_scs_section_size  }
0x9a: {  	s5 =	simm.s32 $_size__tile_overlayer_lowered;
	s6 =	simm.s32 $_tile_overlayer_lowered  }
0x9b: {  	s22 =	simm.s32 $0x1BFF;
	s21 =	sshll.u32 s6, $0x1;
	s3 =	sadd.s32 s4, s19  }
0x9c: {  	s7 =	simm.s32 $0x0;
	s20 =	sshll.u32 s5, $0x1;
	s5 =	sadd.s32 s21, s3  }
0x9d: {  	[timem:s7], [sflag:s22] =	dma.local [hbm:s5], s20  }
0x9e: {  	_ =	swait.ge [sflag:s22], s20  }
0x9f: {  	s4 =	ssub.s32 $0x0, s20;
	[sflag:s22] =	ssyncset.done $0x0  }
0xa0: {  	[sflag:s22] =	ssyncadd.s32 s4;
	_ =	sdelay $0x1  }
0xa1: {  	s23 =	simm.s32 $0x1B8B  }
0xa2: {  	_ =	swait.ge [sflag:s23], $0x1  }
0xa3: {  	[sflag:s23] =	ssyncset.done $0x0  }
0xa4: {  	s25 =	simm.s32 $0x1B8E;
	s24 =	sld [smem:$0x3FFE];
	[sflag:s23] =	ssyncadd.s32 $0xFFFFFFFF  }
0xa5: {  	s26 =	simm.s32 $execute0_lowered;
	[smem:$0x3FD2] =	sst s25  }
0xa6: {  	s5 =	sshll.u32 s26, $0x1;
	_ =	strace $0x80000046;
	[dreg:$0x1] =	wrdreg $0xFFFFFFFF  }
0xa7: {  	s28 =	simm.s32 $_size_execute0_lowered;
	s3 =	sadd.s32 s3, s5;
	[dreg:$0x0] =	wrdreg $0x0  }
0xa8: {  	s5 =	sshll.u32 s28, $0x1;
	[dreg:$0x2] =	wrdreg s3  }
0xa9: {  	[dreg:$0x3] =	wrdreg s5  }
0xaa: {  	[dreg:$0x4] =	wrdreg $0xC0  }
0xab: {  	_ =	task [dreg:s7], $0x5FFFF  }
0xac: {  	[dreg:$0x1] =	wrdreg $0xFFFFFFFF  }
0xad: {  	[dreg:$0x0] =	wrdreg $0x60  }
0xae: {  	[dreg:$0x2] =	wrdreg s2  }
0xaf: {  	[dreg:$0x3] =	wrdreg s24  }
0xb0: {  	[dreg:$0x4] =	wrdreg $0x9  }
0xb1: {  	_ =	task.clear_ibuf [dreg:s7], $0x5FFFF;
	_ =	strace $0x90000046  }
0xb2: {  	s29 =	simm.s32 $0x9;
	_ =	strace $0x80000048  }
0xb3: {  	_ =	swait.ge [sflag:s29], $0x1  }
0xb4: {  	[sflag:s29] =	ssyncadd.s32 $0xFFFFFFFF  }
0xb5: {  	_ =	strace $0x90000048  }
0xb6: {  	_ =	sfence  }
0xb7: {  	s30 =	sld [smem:$0x0];
	_ =	sdelay $0x2  }
0xb8: {  	s31 =	sshll.u32 s1, $0xD;
	s1 =	sshrl.u32 s1, $0x2  }
0xb9: {  	s3 =	sand.u32 $0x4000, s31;
	s1 =	sadd.s32 s1, s30  }
0xba: {  	s0 =	sor.u32 s3, s0;
	s1 =	sshll.u32 s1, $0x11  }
0xbb: {  	s0 =	sor.u32 s1, s0  }
0xbc: {  	s0 =	sadd.s32 $0x8F2B, s0  }
0xbd: {  	[sflag:s0] =	ssyncadd.remote.s32 $0x1  }
0xbe: {  	_ =	sfence.sel $0xFFFF  }
0xbf: {  	[dreg:$0x0] =	wrdreg $0xFFFFFFFF;
	(pc) =	sbr.abs _section_cstart, $3  }
0xc0: {  	[dreg:$0x1] =	wrdreg $0xFFFFFFFF  }
0xc1: {  	_ =	task.clear_ibuf [dreg:s7], $0x2FFFF;
	_ =	strace $0x9FFFFFFF  }
0xc2: {  	(tm) =	ssettm $0x7FFFFFFF  }
0xc3: {  	_ =	shalt  }
tec
execute0_lowered:
.L_overlay_start_1:
0x0: {  	(tag) =	ssettag $0x1  }
0x1: {  	s1 =	rddreg [dreg:$0x0]  }
0x2: {  	s0 =	srdreg.scid;
	s5 =	rddreg [dreg:$0x1];
	s3 =	simm.s32 $0x0  }
0x3: {  	s4 =	stileid.u32;
	s8 =	simm.s32 $0x640;
	s9 =	simm.s32 $0x12C0  }
0x4: {  	s10 =	simm.s32 $0x1900;
	s11 =	simm.s32 $0x1F40;
	s12 =	simm.s32 $0x2580  }
0x5: {  	s13 =	simm.s32 $0x2BC0;
	s14 =	simm.s32 $0x3200;
	s15 =	simm.s32 $0x3840  }
0x6: {  	s16 =	simm.s32 $0x3E80;
	s17 =	simm.s32 $0x44C0;
	s18 =	simm.s32 $0x4B00  }
0x7: {  	s19 =	simm.s32 $0x5140;
	s20 =	simm.s32 $0x5780;
	s21 =	simm.s32 $0x5DC0  }
.Ltmp0:
0x8: {  	s22 =	simm.s32 $0x1;
	s2 =	sand.u32 $0x1, s0;
	(pc) =	sbr.rel .LBB2_1-.Ltmp0, $4  }
0x9: {  	s23 =	simm.s32 $0x6400;
	s24 =	simm.s32 $0x2;
	s6 =	ssub.s32 $0x2, s2  }
0xa: {  	s25 =	simm.s32 $0x0;
	s0 =	rddreg [dreg:$0x2];
	s7 =	sshrl.u32 s6, $0x1  }
0xb: {  	[smem:$0x7FF] =	sst s3;
	s5 =	sadd.s32 $0x600, s5;
	s7 =	ssub.s32 s6, s7  }
0xc: {  	_ =	strace $0x80000047;
	s6 =	sshll.u32 s4, $0x1;
	s7 =	smax.u32 s7, $0x1  }
.LBB2_13:
0xd: {  	s25 =	sadd.s32 $0x1, s25  }
0xe: {  	p0 =	sne.s32 s25, s7  }
.Ltmp1:
0xf: {  	_ = 	snop;
	(pc) =	sbr.rel @!p0 .LBB2_14-.Ltmp1, $1  }
0x10: {  	_ =	sdelay $0x3  }
.LBB2_1:
.Ltmp2:
0x11: {  	(pc) =	sbr.rel .LBB2_2-.Ltmp2, $2  }
0x12: {  	_ =	sdelay $0x2  }
0x13: {  	s26 =	simm.s32 $0x0  }
.LBB2_12:
0x14: {  	s26 =	sadd.s32 $0x1, s26  }
0x15: {  	p0 =	sne.s32 s26, $0x14  }
.Ltmp3:
0x16: {  	_ = 	snop;
	(pc) =	sbr.rel @!p0 .LBB2_13-.Ltmp3, $1  }
0x17: {  	_ =	sdelay $0x3  }
.LBB2_2:
0x18: {  	s28 =	sshll.u32 s26, $0x5  }
0x19: {  	s28 =	sor.u32 s28, s6  }
0x1a: {  	s28 =	sor.u32 s2, s28  }
0x1b: {  	p0 =	sgt.u32 s28, $0x270  }
.Ltmp4:
0x1c: {  	_ = 	snop;
	(pc) =	sbr.rel @p0 .LBB2_12-.Ltmp4, $1  }
0x1d: {  	_ =	sdelay $0x3  }
0x1e: {  	s29 =	smul.u32 $0x640, s28;
	_ =	sdelay $0x1  }
0x1f: {  	s29 =	sshrl.u32 s29, $0x3  }
0x20: {  	s29 =	sadd.s32 s1, s29  }
0x21: {  	[tilespmem:s3], [sflag:$0x1] =	stream.linear.gather [hbm4b:s29+s3], $0x640, $0x38;
	[tilespmem:$0xC800] =	vst v63  }
0x22: {  	s30 =	sadd.s32 $0x1E848, s29  }
0x23: {  	[tilespmem:s8], [sflag:$0x1] =	stream.linear.gather [hbm4b:s30+s3], $0x640, $0x38;
	[tilespmem:$0xC800] =	vst v63  }
0x24: {  	s31 =	sadd.s32 $0x3D090, s29;
	s30 =	simm.s32 $0xC80  }
0x25: {  	[tilespmem:s30], [sflag:$0x1] =	stream.linear.gather [hbm4b:s31+s3], $0x640, $0x38;
	[tilespmem:$0xC800] =	vst v63  }
0x26: {  	s31 =	sadd.s32 $0x5B8D8, s29  }
0x27: {  	[tilespmem:s9], [sflag:$0x1] =	stream.linear.gather [hbm4b:s31+s3], $0x640, $0x38;
	[tilespmem:$0xC800] =	vst v63  }
0x28: {  	s31 =	sadd.s32 $0x7A120, s29  }
0x29: {  	[tilespmem:s10], [sflag:$0x1] =	stream.linear.gather [hbm4b:s31+s3], $0x640, $0x38;
	[tilespmem:$0xC800] =	vst v63  }
0x2a: {  	s31 =	sadd.s32 $0x98968, s29  }
0x2b: {  	[tilespmem:s11], [sflag:$0x1] =	stream.linear.gather [hbm4b:s31+s3], $0x640, $0x38;
	[tilespmem:$0xC800] =	vst v63  }
0x2c: {  	s31 =	sadd.s32 $0xB71B0, s29  }
0x2d: {  	[tilespmem:s12], [sflag:$0x1] =	stream.linear.gather [hbm4b:s31+s3], $0x640, $0x38;
	[tilespmem:$0xC800] =	vst v63  }
0x2e: {  	s31 =	sadd.s32 $0xD59F8, s29  }
0x2f: {  	[tilespmem:s13], [sflag:$0x1] =	stream.linear.gather [hbm4b:s31+s3], $0x640, $0x38;
	[tilespmem:$0xC800] =	vst v63  }
0x30: {  	s31 =	sadd.s32 $0xF4240, s29  }
0x31: {  	[tilespmem:s14], [sflag:$0x1] =	stream.linear.gather [hbm4b:s31+s3], $0x640, $0x38;
	[tilespmem:$0xC800] =	vst v63  }
0x32: {  	s31 =	sadd.s32 $0x112A88, s29  }
0x33: {  	[tilespmem:s15], [sflag:$0x1] =	stream.linear.gather [hbm4b:s31+s3], $0x640, $0x38;
	[tilespmem:$0xC800] =	vst v63  }
0x34: {  	s31 =	sadd.s32 $0x1312D0, s29  }
0x35: {  	[tilespmem:s16], [sflag:$0x1] =	stream.linear.gather [hbm4b:s31+s3], $0x640, $0x38;
	[tilespmem:$0xC800] =	vst v63  }
0x36: {  	s31 =	sadd.s32 $0x14FB18, s29  }
0x37: {  	[tilespmem:s17], [sflag:$0x1] =	stream.linear.gather [hbm4b:s31+s3], $0x640, $0x38;
	[tilespmem:$0xC800] =	vst v63  }
0x38: {  	s31 =	sadd.s32 $0x16E360, s29  }
0x39: {  	[tilespmem:s18], [sflag:$0x1] =	stream.linear.gather [hbm4b:s31+s3], $0x640, $0x38;
	[tilespmem:$0xC800] =	vst v63  }
0x3a: {  	s31 =	sadd.s32 $0x18CBA8, s29  }
0x3b: {  	[tilespmem:s19], [sflag:$0x1] =	stream.linear.gather [hbm4b:s31+s3], $0x640, $0x38;
	[tilespmem:$0xC800] =	vst v63  }
0x3c: {  	s31 =	sadd.s32 $0x1AB3F0, s29  }
0x3d: {  	[tilespmem:s20], [sflag:$0x1] =	stream.linear.gather [hbm4b:s31+s3], $0x640, $0x38;
	[tilespmem:$0xC800] =	vst v63  }
0x3e: {  	s29 =	sadd.s32 $0x1C9C38, s29  }
0x3f: {  	[tilespmem:s21], [sflag:$0x1] =	stream.linear.gather [hbm4b:s29+s3], $0x640, $0x38;
	[tilespmem:$0xC800] =	vst v63  }
0x40: {  	_ =	swait.ge [sflag:s22], $0x6400  }
0x41: {  	[sflag:s22] =	ssyncset.done $0x0  }
0x42: {  	v0 =	vlaneseq.u32;
	[sflag:s22] =	ssyncadd.s32 $0xFFFF9C00  }
0x43: {  	v1 =	vshll.u32 v0, $0x4;
	v2 =	vld [tilespmem:s30+$0xFFFFF380]  }
0x44: {  	v4 =	vor.u32 $0x1, v1;
	v3 =	vld [tilespmem:s30+$0xFFFFF9C0]  }
0x45: {  	v6 =	vor.u32 $0x2, v1;
	v5 =	vld [tilespmem:s30+$0x0]  }
0x46: {  	v8 =	vor.u32 $0x3, v1;
	v7 =	vld [tilespmem:s30+$0x640];
	_ =	sdelay $0x1  }
0x47: {  	[tilespmem:v1+s23+$0x0] =	vst.idx.msk $0xffff, v2  }
0x48: {  	[tilespmem:v4+s23+$0x0] =	vst.idx.msk $0xffff, v3  }
0x49: {  	[tilespmem:v6+s23+$0x0] =	vst.idx.msk $0xffff, v5  }
0x4a: {  	[tilespmem:v8+s23+$0x0] =	vst.idx.msk $0xffff, v7  }
0x4b: {  	v4 =	vadd.s32 $0x100, v1;
	v2 =	vld [tilespmem:s30+$0xFFFFF390];
	_ =	sdelay $0x2  }
0x4c: {  	v6 =	vadd.s32 $0x101, v1;
	v5 =	vld [tilespmem:s30+$0xFFFFF9D0]  }
0x4d: {  	v63 =	vadd.s32 $0x102, v1;
	v7 =	vld [tilespmem:s30+$0x10]  }
0x4e: {  	v3 =	vld [tilespmem:s30+$0x650];
	[tilespmem:v4+s23+$0x0] =	vst.idx.msk $0xffff, v2;
	v4 =	vadd.s32 $0x103, v1;
	_ =	sdelay $0x2  }
0x4f: {  	[tilespmem:v6+s23+$0x0] =	vst.idx.msk $0xffff, v5  }
0x50: {  	s31 =	simm.s32 $0x0;
	v2 =	vlaneseq.u32;
	[tilespmem:v63+s23+$0x0] =	vst.idx.msk $0xffff, v7  }
.LBB2_4:
0x51: {  	s31 =	sadd.s32 $0x2, s31;
	[tilespmem:v4+s23+$0x0] =	vst.idx.msk $0xffff, v3;
	v2 =	vadd.s32 $0x20, v2;
	s30 =	sadd.s32 $0x20, s30;
	s29 =	simm.s32 $0x2BD0  }
0x52: {  	v3 =	vld [tilespmem:s30+$0xFFFFF380];
	v4 =	vshll.u32 v2, $0x4;
	p0 =	slt.u32 s31, $0x62  }
0x53: {  	v5 =	vld [tilespmem:s30+$0xFFFFF9C0];
	v6 =	vor.u32 $0x1, v4  }
0x54: {  	v8 =	vor.u32 $0x2, v4;
	v7 =	vld [tilespmem:s30+$0x0]  }
0x55: {  	v10 =	vor.u32 $0x3, v4;
	v9 =	vld [tilespmem:s30+$0x640];
	_ =	sdelay $0x1  }
0x56: {  	[tilespmem:v4+s23+$0x0] =	vst.idx.msk $0xffff, v3  }
0x57: {  	[tilespmem:v6+s23+$0x0] =	vst.idx.msk $0xffff, v5  }
0x58: {  	[tilespmem:v8+s23+$0x0] =	vst.idx.msk $0xffff, v7  }
0x59: {  	[tilespmem:v10+s23+$0x0] =	vst.idx.msk $0xffff, v9  }
0x5a: {  	v6 =	vadd.s32 $0x100, v4;
	v5 =	vld [tilespmem:s30+$0xFFFFF390]  }
0x5b: {  	v8 =	vadd.s32 $0x101, v4;
	v7 =	vld [tilespmem:s30+$0xFFFFF9D0]  }
0x5c: {  	v10 =	vadd.s32 $0x102, v4;
	v9 =	vld [tilespmem:s30+$0x10]  }
.Ltmp5:
0x5d: {  	v4 =	vadd.s32 $0x103, v4;
	v3 =	vld [tilespmem:s30+$0x650];
	(pc) =	sbr.rel @p0 .LBB2_4-.Ltmp5, $4  }
0x5e: {  	_ = 	snop  }
0x5f: {  	[tilespmem:v6+s23+$0x0] =	vst.idx.msk $0xffff, v5  }
0x60: {  	[tilespmem:v8+s23+$0x0] =	vst.idx.msk $0xffff, v7  }
0x61: {  	[tilespmem:v10+s23+$0x0] =	vst.idx.msk $0xffff, v9  }
0x62: {  	_ =	sdelay $0x3  }
0x63: {  	[tilespmem:v4+s23+$0x0] =	vst.idx.msk $0xffff, v3  }
0x64: {  	v3 =	vor.u32 $0x4, v1;
	v2 =	vld [tilespmem:s29+$0xFFFFED30]  }
0x65: {  	v5 =	vor.u32 $0x5, v1;
	v4 =	vld [tilespmem:s29+$0xFFFFF370]  }
0x66: {  	v7 =	vor.u32 $0x6, v1;
	v6 =	vld [tilespmem:s29+$0xFFFFF9B0]  }
0x67: {  	v9 =	vor.u32 $0x7, v1;
	v8 =	vld [tilespmem:s29+$0xFFFFFFF0];
	_ =	sdelay $0x1  }
0x68: {  	[tilespmem:v3+s23+$0x0] =	vst.idx.msk $0xffff, v2  }
0x69: {  	[tilespmem:v5+s23+$0x0] =	vst.idx.msk $0xffff, v4  }
0x6a: {  	[tilespmem:v7+s23+$0x0] =	vst.idx.msk $0xffff, v6  }
0x6b: {  	[tilespmem:v9+s23+$0x0] =	vst.idx.msk $0xffff, v8  }
0x6c: {  	v61 =	vadd.s32 $0x104, v1;
	v3 =	vld [tilespmem:s29+$0xFFFFED40]  }
0x6d: {  	v62 =	vadd.s32 $0x105, v1;
	v5 =	vld [tilespmem:s29+$0xFFFFF380]  }
0x6e: {  	v63 =	vadd.s32 $0x106, v1;
	v7 =	vld [tilespmem:s29+$0xFFFFF9C0]  }
0x6f: {  	v1 =	vadd.s32 $0x107, v1;
	v2 =	vld [tilespmem:s29+$0x0];
	_ =	sdelay $0x1  }
0x70: {  	[tilespmem:v61+s23+$0x0] =	vst.idx.msk $0xffff, v3  }
0x71: {  	[tilespmem:v62+s23+$0x0] =	vst.idx.msk $0xffff, v5  }
0x72: {  	s30 =	simm.s32 $0x2;
	v0 =	vadd.s32 $0x20, v0;
	[tilespmem:v63+s23+$0x0] =	vst.idx.msk $0xffff, v7  }
.LBB2_6:
0x73: {  	s30 =	sadd.s32 $0x2, s30;
	v3 =	vshll.u32 v0, $0x4;
	[tilespmem:v1+s23+$0x0] =	vst.idx.msk $0xffff, v2;
	s29 =	sadd.s32 $0x20, s29  }
0x74: {  	p0 =	slt.u32 s30, $0x62;
	v1 =	vld [tilespmem:s29+$0xFFFFED30];
	v2 =	vor.u32 $0x4, v3  }
0x75: {  	v5 =	vor.u32 $0x5, v3;
	v4 =	vld [tilespmem:s29+$0xFFFFF370]  }
0x76: {  	v7 =	vor.u32 $0x6, v3;
	v6 =	vld [tilespmem:s29+$0xFFFFF9B0]  }
0x77: {  	v9 =	vor.u32 $0x7, v3;
	v8 =	vld [tilespmem:s29+$0xFFFFFFF0];
	_ =	sdelay $0x1  }
0x78: {  	[tilespmem:v2+s23+$0x0] =	vst.idx.msk $0xffff, v1  }
0x79: {  	[tilespmem:v5+s23+$0x0] =	vst.idx.msk $0xffff, v4  }
0x7a: {  	[tilespmem:v7+s23+$0x0] =	vst.idx.msk $0xffff, v6  }
0x7b: {  	[tilespmem:v9+s23+$0x0] =	vst.idx.msk $0xffff, v8  }
0x7c: {  	v5 =	vadd.s32 $0x104, v3;
	v4 =	vld [tilespmem:s29+$0xFFFFED40]  }
0x7d: {  	v7 =	vadd.s32 $0x105, v3;
	v6 =	vld [tilespmem:s29+$0xFFFFF380]  }
0x7e: {  	v9 =	vadd.s32 $0x106, v3;
	v8 =	vld [tilespmem:s29+$0xFFFFF9C0]  }
.Ltmp6:
0x7f: {  	v1 =	vadd.s32 $0x107, v3;
	v2 =	vld [tilespmem:s29+$0x0];
	(pc) =	sbr.rel @p0 .LBB2_6-.Ltmp6, $4  }
0x80: {  	_ = 	snop  }
0x81: {  	[tilespmem:v5+s23+$0x0] =	vst.idx.msk $0xffff, v4  }
0x82: {  	[tilespmem:v7+s23+$0x0] =	vst.idx.msk $0xffff, v6  }
0x83: {  	v0 =	vadd.s32 $0x20, v0;
	[tilespmem:v9+s23+$0x0] =	vst.idx.msk $0xffff, v8  }
0x84: {  	_ =	sdelay $0x3  }
0x85: {  	v0 =	vshll.u32 v0, $0x4;
	[tilespmem:v1+s23+$0x0] =	vst.idx.msk $0xffff, v2;
	s29 =	sadd.s32 $0x20, s29  }
0x86: {  	v1 =	vld [tilespmem:s29+$0xFFFFED30];
	v2 =	vor.u32 $0x4, v0  }
0x87: {  	v3 =	vld [tilespmem:s29+$0xFFFFF370];
	v4 =	vor.u32 $0x5, v0  }
0x88: {  	v5 =	vld [tilespmem:s29+$0xFFFFF9B0];
	v6 =	vor.u32 $0x6, v0  }
0x89: {  	v7 =	vld [tilespmem:s29+$0xFFFFFFF0];
	v8 =	vor.u32 $0x7, v0;
	_ =	sdelay $0x1  }
0x8a: {  	[tilespmem:v2+s23+$0x0] =	vst.idx.msk $0xffff, v1  }
0x8b: {  	[tilespmem:v4+s23+$0x0] =	vst.idx.msk $0xffff, v3  }
0x8c: {  	[tilespmem:v6+s23+$0x0] =	vst.idx.msk $0xffff, v5  }
0x8d: {  	[tilespmem:v8+s23+$0x0] =	vst.idx.msk $0xffff, v7  }
0x8e: {  	v2 =	vadd.s32 $0x104, v0;
	v1 =	vld [tilespmem:s29+$0xFFFFED40]  }
0x8f: {  	v4 =	vadd.s32 $0x105, v0;
	v3 =	vld [tilespmem:s29+$0xFFFFF380]  }
0x90: {  	v6 =	vadd.s32 $0x106, v0;
	v5 =	vld [tilespmem:s29+$0xFFFFF9C0]  }
0x91: {  	v62 =	vadd.s32 $0x107, v0;
	v7 =	vld [tilespmem:s29+$0x0];
	_ =	sdelay $0x1  }
0x92: {  	[tilespmem:v2+s23+$0x0] =	vst.idx.msk $0xffff, v1  }
0x93: {  	[tilespmem:v4+s23+$0x0] =	vst.idx.msk $0xffff, v3  }
0x94: {  	v0 =	vlaneseq.u32;
	[tilespmem:v6+s23+$0x0] =	vst.idx.msk $0xffff, v5  }
0x95: {  	s29 =	simm.s32 $0x44D0;
	v1 =	vshll.u32 v0, $0x4;
	[tilespmem:v62+s23+$0x0] =	vst.idx.msk $0xffff, v7  }
0x96: {  	v3 =	vor.u32 $0x8, v1;
	v2 =	vld [tilespmem:s29+$0xFFFFED30]  }
0x97: {  	v5 =	vor.u32 $0x9, v1;
	v4 =	vld [tilespmem:s29+$0xFFFFF370]  }
0x98: {  	v7 =	vor.u32 $0xA, v1;
	v6 =	vld [tilespmem:s29+$0xFFFFF9B0]  }
0x99: {  	v9 =	vor.u32 $0xB, v1;
	v8 =	vld [tilespmem:s29+$0xFFFFFFF0];
	_ =	sdelay $0x1  }
0x9a: {  	[tilespmem:v3+s23+$0x0] =	vst.idx.msk $0xffff, v2  }
0x9b: {  	[tilespmem:v5+s23+$0x0] =	vst.idx.msk $0xffff, v4  }
0x9c: {  	[tilespmem:v7+s23+$0x0] =	vst.idx.msk $0xffff, v6  }
0x9d: {  	[tilespmem:v9+s23+$0x0] =	vst.idx.msk $0xffff, v8  }
0x9e: {  	v4 =	vadd.s32 $0x108, v1;
	v2 =	vld [tilespmem:s29+$0xFFFFED40];
	_ =	sdelay $0x2  }
0x9f: {  	v6 =	vadd.s32 $0x109, v1;
	v5 =	vld [tilespmem:s29+$0xFFFFF380]  }
0xa0: {  	v63 =	vadd.s32 $0x10A, v1;
	v7 =	vld [tilespmem:s29+$0xFFFFF9C0]  }
0xa1: {  	v3 =	vld [tilespmem:s29+$0x0];
	[tilespmem:v4+s23+$0x0] =	vst.idx.msk $0xffff, v2;
	v4 =	vadd.s32 $0x10B, v1;
	_ =	sdelay $0x2  }
0xa2: {  	[tilespmem:v6+s23+$0x0] =	vst.idx.msk $0xffff, v5  }
0xa3: {  	s30 =	simm.s32 $0x2;
	v2 =	vadd.s32 $0x20, v0;
	[tilespmem:v63+s23+$0x0] =	vst.idx.msk $0xffff, v7  }
.LBB2_8:
0xa4: {  	s30 =	sadd.s32 $0x2, s30;
	v5 =	vshll.u32 v2, $0x4;
	[tilespmem:v4+s23+$0x0] =	vst.idx.msk $0xffff, v3;
	s29 =	sadd.s32 $0x20, s29  }
0xa5: {  	p0 =	slt.u32 s30, $0x62;
	v3 =	vld [tilespmem:s29+$0xFFFFED30];
	v4 =	vor.u32 $0x8, v5  }
0xa6: {  	v7 =	vor.u32 $0x9, v5;
	v6 =	vld [tilespmem:s29+$0xFFFFF370]  }
0xa7: {  	v9 =	vor.u32 $0xA, v5;
	v8 =	vld [tilespmem:s29+$0xFFFFF9B0]  }
0xa8: {  	v11 =	vor.u32 $0xB, v5;
	v10 =	vld [tilespmem:s29+$0xFFFFFFF0];
	_ =	sdelay $0x1  }
0xa9: {  	[tilespmem:v4+s23+$0x0] =	vst.idx.msk $0xffff, v3  }
0xaa: {  	[tilespmem:v7+s23+$0x0] =	vst.idx.msk $0xffff, v6  }
0xab: {  	[tilespmem:v9+s23+$0x0] =	vst.idx.msk $0xffff, v8  }
0xac: {  	[tilespmem:v11+s23+$0x0] =	vst.idx.msk $0xffff, v10  }
0xad: {  	v7 =	vadd.s32 $0x108, v5;
	v6 =	vld [tilespmem:s29+$0xFFFFED40]  }
0xae: {  	v9 =	vadd.s32 $0x109, v5;
	v8 =	vld [tilespmem:s29+$0xFFFFF380]  }
0xaf: {  	v11 =	vadd.s32 $0x10A, v5;
	v10 =	vld [tilespmem:s29+$0xFFFFF9C0]  }
.Ltmp7:
0xb0: {  	v4 =	vadd.s32 $0x10B, v5;
	v3 =	vld [tilespmem:s29+$0x0];
	(pc) =	sbr.rel @p0 .LBB2_8-.Ltmp7, $4  }
0xb1: {  	_ = 	snop  }
0xb2: {  	[tilespmem:v7+s23+$0x0] =	vst.idx.msk $0xffff, v6  }
0xb3: {  	[tilespmem:v9+s23+$0x0] =	vst.idx.msk $0xffff, v8  }
0xb4: {  	v2 =	vadd.s32 $0x20, v2;
	[tilespmem:v11+s23+$0x0] =	vst.idx.msk $0xffff, v10  }
0xb5: {  	_ =	sdelay $0x3  }
0xb6: {  	v2 =	vshll.u32 v2, $0x4;
	[tilespmem:v4+s23+$0x0] =	vst.idx.msk $0xffff, v3;
	s29 =	sadd.s32 $0x20, s29  }
0xb7: {  	v3 =	vld [tilespmem:s29+$0xFFFFED30];
	v54 =	vor.u32 $0x8, v2  }
0xb8: {  	v5 =	vld [tilespmem:s29+$0xFFFFF370];
	v6 =	vor.u32 $0x9, v2  }
0xb9: {  	v7 =	vld [tilespmem:s29+$0xFFFFF9B0];
	v8 =	vor.u32 $0xA, v2  }
0xba: {  	v9 =	vld [tilespmem:s29+$0xFFFFFFF0];
	v10 =	vor.u32 $0xB, v2;
	_ =	sdelay $0x1  }
0xbb: {  	[tilespmem:v54+s23+$0x0] =	vst.idx.msk $0xffff, v3  }
0xbc: {  	[tilespmem:v6+s23+$0x0] =	vst.idx.msk $0xffff, v5  }
0xbd: {  	[tilespmem:v8+s23+$0x0] =	vst.idx.msk $0xffff, v7  }
0xbe: {  	[tilespmem:v10+s23+$0x0] =	vst.idx.msk $0xffff, v9  }
0xbf: {  	v55 =	vadd.s32 $0x108, v2;
	v3 =	vld [tilespmem:s29+$0xFFFFED40]  }
0xc0: {  	v56 =	vadd.s32 $0x109, v2;
	v5 =	vld [tilespmem:s29+$0xFFFFF380]  }
0xc1: {  	v57 =	vadd.s32 $0x10A, v2;
	v7 =	vld [tilespmem:s29+$0xFFFFF9C0]  }
0xc2: {  	v2 =	vadd.s32 $0x10B, v2;
	v9 =	vld [tilespmem:s29+$0x0];
	_ =	sdelay $0x1  }
0xc3: {  	[tilespmem:v55+s23+$0x0] =	vst.idx.msk $0xffff, v3  }
0xc4: {  	[tilespmem:v56+s23+$0x0] =	vst.idx.msk $0xffff, v5  }
0xc5: {  	[tilespmem:v57+s23+$0x0] =	vst.idx.msk $0xffff, v7  }
0xc6: {  	s29 =	simm.s32 $0x4B00;
	[tilespmem:v2+s23+$0x0] =	vst.idx.msk $0xffff, v9  }
0xc7: {  	v3 =	vor.u32 $0xC, v1;
	v2 =	vld [tilespmem:s29+$0x0]  }
0xc8: {  	v58 =	vor.u32 $0xD, v1;
	v4 =	vld [tilespmem:s29+$0x640]  }
0xc9: {  	v59 =	vor.u32 $0xE, v1;
	v6 =	vld [tilespmem:s29+$0xC80]  }
0xca: {  	v60 =	vor.u32 $0xF, v1;
	v8 =	vld [tilespmem:s29+$0x12C0];
	_ =	sdelay $0x1  }
0xcb: {  	[tilespmem:v3+s23+$0x0] =	vst.idx.msk $0xffff, v2  }
0xcc: {  	[tilespmem:v58+s23+$0x0] =	vst.idx.msk $0xffff, v4  }
0xcd: {  	[tilespmem:v59+s23+$0x0] =	vst.idx.msk $0xffff, v6  }
0xce: {  	[tilespmem:v60+s23+$0x0] =	vst.idx.msk $0xffff, v8  }
0xcf: {  	v61 =	vadd.s32 $0x10C, v1;
	v3 =	vld [tilespmem:s29+$0x10]  }
0xd0: {  	v62 =	vadd.s32 $0x10D, v1;
	v5 =	vld [tilespmem:s29+$0x650]  }
0xd1: {  	v63 =	vadd.s32 $0x10E, v1;
	v7 =	vld [tilespmem:s29+$0xC90]  }
0xd2: {  	v1 =	vadd.s32 $0x10F, v1;
	v2 =	vld [tilespmem:s29+$0x12D0];
	_ =	sdelay $0x1  }
0xd3: {  	[tilespmem:v61+s23+$0x0] =	vst.idx.msk $0xffff, v3  }
0xd4: {  	[tilespmem:v62+s23+$0x0] =	vst.idx.msk $0xffff, v5  }
0xd5: {  	s30 =	simm.s32 $0x2;
	v0 =	vadd.s32 $0x20, v0;
	[tilespmem:v63+s23+$0x0] =	vst.idx.msk $0xffff, v7  }
.LBB2_10:
0xd6: {  	s30 =	sadd.s32 $0x2, s30;
	v3 =	vshll.u32 v0, $0x4;
	[tilespmem:v1+s23+$0x0] =	vst.idx.msk $0xffff, v2;
	s29 =	sadd.s32 $0x20, s29  }
0xd7: {  	p0 =	slt.u32 s30, $0x62;
	v1 =	vld [tilespmem:s29+$0x0];
	v2 =	vor.u32 $0xC, v3  }
0xd8: {  	v5 =	vor.u32 $0xD, v3;
	v4 =	vld [tilespmem:s29+$0x640]  }
0xd9: {  	v7 =	vor.u32 $0xE, v3;
	v6 =	vld [tilespmem:s29+$0xC80]  }
0xda: {  	v9 =	vor.u32 $0xF, v3;
	v8 =	vld [tilespmem:s29+$0x12C0];
	_ =	sdelay $0x1  }
0xdb: {  	[tilespmem:v2+s23+$0x0] =	vst.idx.msk $0xffff, v1  }
0xdc: {  	[tilespmem:v5+s23+$0x0] =	vst.idx.msk $0xffff, v4  }
0xdd: {  	[tilespmem:v7+s23+$0x0] =	vst.idx.msk $0xffff, v6  }
0xde: {  	[tilespmem:v9+s23+$0x0] =	vst.idx.msk $0xffff, v8  }
0xdf: {  	v5 =	vadd.s32 $0x10C, v3;
	v4 =	vld [tilespmem:s29+$0x10]  }
0xe0: {  	v7 =	vadd.s32 $0x10D, v3;
	v6 =	vld [tilespmem:s29+$0x650]  }
0xe1: {  	v9 =	vadd.s32 $0x10E, v3;
	v8 =	vld [tilespmem:s29+$0xC90]  }
.Ltmp8:
0xe2: {  	v1 =	vadd.s32 $0x10F, v3;
	v2 =	vld [tilespmem:s29+$0x12D0];
	(pc) =	sbr.rel @p0 .LBB2_10-.Ltmp8, $4  }
0xe3: {  	_ = 	snop  }
0xe4: {  	[tilespmem:v5+s23+$0x0] =	vst.idx.msk $0xffff, v4  }
0xe5: {  	[tilespmem:v7+s23+$0x0] =	vst.idx.msk $0xffff, v6  }
0xe6: {  	v0 =	vadd.s32 $0x20, v0;
	[tilespmem:v9+s23+$0x0] =	vst.idx.msk $0xffff, v8  }
0xe7: {  	_ =	sdelay $0x3  }
0xe8: {  	v0 =	vshll.u32 v0, $0x4;
	[tilespmem:v1+s23+$0x0] =	vst.idx.msk $0xffff, v2;
	s29 =	sadd.s32 $0x20, s29  }
0xe9: {  	v1 =	vld [tilespmem:s29+$0x0];
	v60 =	vor.u32 $0xC, v0  }
0xea: {  	v3 =	vld [tilespmem:s29+$0x640];
	v4 =	vor.u32 $0xD, v0  }
0xeb: {  	v5 =	vld [tilespmem:s29+$0xC80];
	v6 =	vor.u32 $0xE, v0  }
0xec: {  	v7 =	vld [tilespmem:s29+$0x12C0];
	v8 =	vor.u32 $0xF, v0;
	_ =	sdelay $0x1  }
0xed: {  	[tilespmem:v60+s23+$0x0] =	vst.idx.msk $0xffff, v1  }
0xee: {  	[tilespmem:v4+s23+$0x0] =	vst.idx.msk $0xffff, v3  }
0xef: {  	[tilespmem:v6+s23+$0x0] =	vst.idx.msk $0xffff, v5  }
0xf0: {  	[tilespmem:v8+s23+$0x0] =	vst.idx.msk $0xffff, v7  }
0xf1: {  	v61 =	vadd.s32 $0x10C, v0;
	v1 =	vld [tilespmem:s29+$0x10]  }
0xf2: {  	v62 =	vadd.s32 $0x10D, v0;
	v3 =	vld [tilespmem:s29+$0x650]  }
0xf3: {  	v63 =	vadd.s32 $0x10E, v0;
	v5 =	vld [tilespmem:s29+$0xC90]  }
0xf4: {  	v0 =	vadd.s32 $0x10F, v0;
	v7 =	vld [tilespmem:s29+$0x12D0];
	_ =	sdelay $0x1  }
0xf5: {  	[tilespmem:v61+s23+$0x0] =	vst.idx.msk $0xffff, v1  }
0xf6: {  	s28 =	smul.u32 $0xC80, s28;
	[tilespmem:v62+s23+$0x0] =	vst.idx.msk $0xffff, v3  }
0xf7: {  	[tilespmem:v63+s23+$0x0] =	vst.idx.msk $0xffff, v5  }
.Ltmp9:
0xf8: {  	s28 =	sadd.s32 s5, s28;
	[tilespmem:v0+s23+$0x0] =	vst.idx.msk $0xffff, v7;
	(pc) =	sbr.rel .LBB2_12-.Ltmp9, $4  }
0xf9: {  	[hbm4b:s28+s3] =	stream.linear.scatter [tilespmem:s23], [sflag:$0x2], $0x6400, $0x38;
	[tilespmem:$0xC800] =	vst v63  }
0xfa: {  	_ =	swait.ge [sflag:s24], $0x6400  }
0xfb: {  	[sflag:s24] =	ssyncset.done $0x0  }
0xfc: {  	[sflag:s24] =	ssyncadd.s32 $0xFFFF9C00  }
.LBB2_14:
0xfd: {  	_ =	sfence.sel $0x180000  }
0xfe: {  	[bflag:$0x0] =	sbarrier.arrive $0xFFFF  }
0xff: {  	p0 =	sne.s32 s4, $0x0;
	_ =	strace $0x90000047  }
0x100: {  	s0 =	sadd.s32 @!p0 $0x100000, s0;
	[bflag:$0x2] =	sbarrier.arrive $0xFFFF  }
0x101: {  	[sflag:s0] =	ssyncadd.tile.s32 @!p0 $0x1;
	_ =	shalt  }
.Lfunc_end2:
_tile_overlayer_lowered:
.L_overlay_start_2:
0x102: {  	(tag) =	ssettag $0x2  }
0x103: {  	s0 =	rddreg [dreg:$0x0];
	s2 =	stileid.u32  }
0x104: {  	s1 =	rddreg [dreg:$0x1];
	p0 =	sne.s32 s2, $0x0  }
0x105: {  	s3 =	rddreg [dreg:$0x2];
	[bflag:$0x3] =	sbarrier.arrive $0xFFFF;
	s2 =	simm.s32 @!p0 $0x1C02  }
0x106: {  	[timem:s3], [sflag:s2] =	dma.local @!p0 [hbm:s0], s1  }
0x107: {  	s0 =	simm.s32 @!p0 $0x2  }
0x108: {  	_ =	swait.ge @!p0 [sflag:s0], s1  }
0x109: {  	s1 =	ssub.s32 @!p0 $0x0, s1;
	[sflag:s0] =	ssyncset.done @!p0 $0x0  }
0x10a: {  	[sflag:s0] =	ssyncadd.s32 @!p0 s1  }
0x10b: {  	[bflag:$0x3] =	sbarrier.arrive $0xFFFF  }
0x10c: {  	_ =	shalt  }

// kernel: sparse-core-data-format-call.cloned.1.call-start
scs
called_computation_lowered:
.L_overlay_start_0:
0x0: {  	s2 =	sld [smem:$0x3FD9]  }
0x1: {  	s3 =	sld [smem:$0x3FFE];
	_ =	sdelay $0x1  }
0x2: {  	s1 =	srdreg.scid  }
0x3: {  	s0 =	sand.u32 $0x1, s1  }
0x4: {  	s18 =	sshll.u32 s0, $0xA;
	s2 =	sadd.s32 s3, s2  }
0x5: {  	s2 =	sadd.s32 s2, s18  }
0x6: {  	[smem:$0x3FC7] =	sst s2  }
0x7: {  	_ = 	snop  }
0x8: {  	s2 =	sld [smem:$0x3FD0];
	(tm) =	ssettm $0x1  }
0x9: {  	s19 =	sld [smem:$0x3FFB];
	_ =	sdelay $0x3  }
0xa: {  	_ =	strace s19  }
0xb: {  	s3 =	sld [smem:$0x3FFC];
	_ =	sdelay $0x3  }
0xc: {  	_ =	strace s3  }
0xd: {  	s3 =	sld [smem:$0x3FFD];
	_ =	sdelay $0x3  }
0xe: {  	_ =	strace s3  }
0xf: {  	_ =	strace $0x8FFFFFFF  }
0x10: {  	s20 =	sld [smem:$0x3FDB];
	_ =	sdelay $0x1  }
0x11: {  	s4 =	simm.s32 $_scs_section_size  }
0x12: {  	s5 =	simm.s32 $_size__tile_overlayer_lowered;
	s6 =	simm.s32 $_tile_overlayer_lowered  }
0x13: {  	s23 =	simm.s32 $0x1BFF;
	s22 =	sshll.u32 s6, $0x1;
	s3 =	sadd.s32 s4, s20  }
0x14: {  	s7 =	simm.s32 $0x0;
	s21 =	sshll.u32 s5, $0x1;
	s5 =	sadd.s32 s22, s3  }
0x15: {  	[timem:s7], [sflag:s23] =	dma.local [hbm:s5], s21  }
0x16: {  	_ =	swait.ge [sflag:s23], s21  }
0x17: {  	s4 =	ssub.s32 $0x0, s21;
	[sflag:s23] =	ssyncset.done $0x0  }
0x18: {  	[sflag:s23] =	ssyncadd.s32 s4;
	_ =	sdelay $0x1  }
0x19: {  	s24 =	simm.s32 $0x1B8B  }
0x1a: {  	_ =	swait.ge [sflag:s24], $0x1  }
0x1b: {  	[sflag:s24] =	ssyncset.done $0x0  }
0x1c: {  	s26 =	simm.s32 $0x1B8E;
	s25 =	sld [smem:$0x3FFE];
	[sflag:s24] =	ssyncadd.s32 $0xFFFFFFFF  }
0x1d: {  	s27 =	simm.s32 $execute0_lowered;
	[smem:$0x3FD2] =	sst s26  }
0x1e: {  	s5 =	sshll.u32 s27, $0x1;
	_ =	strace $0x80000049;
	[dreg:$0x1] =	wrdreg $0xFFFFFFFF  }
0x1f: {  	s28 =	simm.s32 $_size_execute0_lowered;
	s3 =	sadd.s32 s3, s5;
	[dreg:$0x0] =	wrdreg $0x0  }
0x20: {  	s5 =	sshll.u32 s28, $0x1;
	[dreg:$0x2] =	wrdreg s3  }
0x21: {  	[dreg:$0x3] =	wrdreg s5  }
0x22: {  	[dreg:$0x4] =	wrdreg $0xC0  }
0x23: {  	_ =	task [dreg:s7], $0x5FFFF  }
0x24: {  	[dreg:$0x1] =	wrdreg $0xFFFFFFFF  }
0x25: {  	[dreg:$0x0] =	wrdreg $0x60  }
0x26: {  	[dreg:$0x2] =	wrdreg s25  }
0x27: {  	[dreg:$0x3] =	wrdreg s2  }
0x28: {  	[dreg:$0x4] =	wrdreg $0x9  }
0x29: {  	_ =	task.clear_ibuf [dreg:s7], $0x5FFFF;
	_ =	strace $0x90000049  }
0x2a: {  	s29 =	simm.s32 $0x9;
	_ =	strace $0x8000004B  }
0x2b: {  	_ =	swait.ge [sflag:s29], $0x1  }
0x2c: {  	[sflag:s29] =	ssyncadd.s32 $0xFFFFFFFF  }
0x2d: {  	_ =	strace $0x9000004B  }
0x2e: {  	_ =	sfence  }
0x2f: {  	s30 =	sld [smem:$0x0];
	_ =	sdelay $0x2  }
0x30: {  	s31 =	sshll.u32 s1, $0xD;
	s1 =	sshrl.u32 s1, $0x2  }
0x31: {  	s3 =	sand.u32 $0x4000, s31;
	s1 =	sadd.s32 s1, s30  }
0x32: {  	s0 =	sor.u32 s3, s0;
	s1 =	sshll.u32 s1, $0x11  }
0x33: {  	s0 =	sor.u32 s1, s0  }
0x34: {  	s0 =	sadd.s32 $0x8F2B, s0  }
0x35: {  	[sflag:s0] =	ssyncadd.remote.s32 $0x1  }
0x36: {  	_ =	sfence.sel $0xFFFF  }
0x37: {  	[dreg:$0x0] =	wrdreg $0xFFFFFFFF;
	(pc) =	sbr.abs _section_cstart, $3  }
0x38: {  	[dreg:$0x1] =	wrdreg $0xFFFFFFFF  }
0x39: {  	_ =	task.clear_ibuf [dreg:s7], $0x2FFFF;
	_ =	strace $0x9FFFFFFF  }
0x3a: {  	(tm) =	ssettm $0x7FFFFFFF  }
0x3b: {  	_ =	shalt  }
tec
execute0_lowered:
.L_overlay_start_1:
0x0: {  	(tag) =	ssettag $0x1  }
0x1: {  	s4 =	rddreg [dreg:$0x0]  }
0x2: {  	s0 =	srdreg.scid;
	s2 =	rddreg [dreg:$0x1]  }
0x3: {  	s1 =	stileid.u32;
	s5 =	simm.s32 $0x1;
	s0 =	sshll.u32 s0, $0x4  }
0x4: {  	s7 =	simm.s32 $0x2;
	s11 =	simm.s32 $0x0;
	s3 =	sand.u32 $0x10, s0  }
.Ltmp0:
0x5: {  	p0 =	por $0x0, $0x0;
	s3 =	sor.u32 s1, s3;
	(pc) =	sbr.rel .LBB1_1-.Ltmp0, $4  }
0x6: {  	s8 =	simm.s32 $0x7A1400;
	s10 =	simm.s32 $0x0;
	s3 =	sshll.u32 s3, $0x7  }
0x7: {  	s0 =	rddreg [dreg:$0x2];
	_ =	strace $0x8000004A;
	s6 =	ssub.s32 $0xF4200, s3  }
0x8: {  	s4 =	sadd.s32 $0x1E8C00, s4;
	[sflag:s5] =	ssyncpa.u1 $0x0;
	s6 =	sshrl.u32 s6, $0xC  }
0x9: {  	[sflag:s7] =	ssyncpa.u1 $0x0;
	s9 =	smov.u32 s3;
	s7 =	sadd.s32 $0x2, s6  }
.LBB1_5:
0xa: {  	s13 =	sadd.s32 $0x1000, s9  }
0xb: {  	p2 =	sgt.s32 s13, $0xF423F  }
0xc: {  	s13 =	smov.u32 @p2 s3;
	p2 =	sne.s32 s10, s7  }
.Ltmp1:
0xd: {  	p1 =	slt.u32 s10, $0x2;
	(pc) =	sbr.rel @!p2 .LBB1_6-.Ltmp1, $4  }
0xe: {  	s12 =	simm.s32 @!p1 $0x2  }
0xf: {  	s14 =	sadd.s32 $0x1, s10;
	_ =	swait.ge @!p1 [sflag:s12], $0x800  }
0x10: {  	s11 =	smov.u32 s9;
	p0 =	por !p0, !p0;
	[sflag:s12] =	ssyncset.done @!p1 $0x0  }
0x11: {  	s10 =	smov.u32 s14;
	s9 =	smov.u32 s13;
	[sflag:s12] =	ssyncadd.s32 @!p1 $0xFFFFF800  }
.LBB1_1:
0x12: {  	p1 =	sgt.u32 s10, s6  }
0x13: {  	s13 =	smov.u32 s9;
	p2 =	sgt.s32 @!p1 s9, $0xF41C0  }
0x14: {  	s12 =	sand.u32 @!p1 $0x1FFFFFF, s9;
	s14 =	sshra.s32 @!p1 s9, $0x1F;
	p2 =	por !p2, p1  }
0x15: {  	s15 =	smulhi.u32 @!p1 $0x218DEF5, s12;
	s14 =	sand.u32 @!p1 s14, s9;
	s13 =	simm.s32 @p2 $0xF41C0  }
0x16: {  	s13 =	ssub.s32 @!p1 s13, s14  }
0x17: {  	s14 =	sshrl.u32 @!p1 s15, $0xD;
	s13 =	sadd.s32 @!p1 $0xFFF0BE40, s13  }
0x18: {  	s15 =	sxor.u32 @!p1 $0xFFFFFFFF, s10;
	s14 =	smul.u32 @!p1 $0xF4240, s14;
	s16 =	sshll.u32 @!p1 s13, $0x6  }
0x19: {  	s15 =	sshll.u32 @!p1 s15, $0xB;
	p2 =	sgt.s32 @!p1 s13, $0x7F;
	s13 =	ssub.s32 @!p1 $0x2000, s16  }
0x1a: {  	s12 =	ssub.s32 @!p1 s12, s14;
	p2 =	por !p2, p1;
	s14 =	sand.u32 @!p1 $0x800, s15  }
0x1b: {  	s15 =	simm.s32 @!p1 $0x10;
	s13 =	sshrl.u32 @!p1 s13, $0x2;
	s12 =	sshll.u32 @!p1 s12, $0x4  }
0x1c: {  	s16 =	simm.s32 @!p1 $0x80;
	s13 =	simm.s32 @!p2 $0x0;
	s12 =	sadd.s32 @!p1 s4, s12  }
0x1d: {  	[tilespmem:s14], [sflag:$0x1] =	stream.strided.gather @!p1 [hbm4b:s12+s15], s13, s16, s15, $0x38;
	[tilespmem:$0x2020] =	vst v63  }
0x1e: {  	p1 =	seq.s32 s10, $0x0  }
0x1f: {  	p2 =	sge.u32 @!p1 s10, s7  }
0x20: {  	p1 =	por p1, p2  }
.Ltmp2:
0x21: {  	_ = 	snop;
	(pc) =	sbr.rel @p1 .LBB1_5-.Ltmp2, $1  }
0x22: {  	_ =	sdelay $0x3  }
0x23: {  	p1 =	sgt.s32 s11, $0xF41C0;
	s12 =	smov.u32 s11;
	s13 =	sshra.s32 s11, $0x1F  }
0x24: {  	s12 =	simm.s32 @!p1 $0xF41C0;
	s13 =	sand.u32 s13, s11  }
0x25: {  	s12 =	ssub.s32 s12, s13  }
0x26: {  	s12 =	sadd.s32 $0xFFF0BE40, s12  }
0x27: {  	s29 =	sshll.u32 s12, $0x6  }
0x28: {  	s13 =	ssub.s32 $0x2000, s29  }
0x29: {  	p1 =	sgt.s32 s12, $0x7F;
	s12 =	sshrl.u32 s13, $0x2  }
0x2a: {  	s13 =	simm.s32 $0x1;
	s12 =	simm.s32 @p1 $0x0  }
0x2b: {  	s13 =	simm.s32 @!p0 $0x0;
	_ =	swait.ge [sflag:s5], s12  }
0x2c: {  	s14 =	sshll.u32 s13, $0xB;
	s12 =	ssub.s32 $0x0, s12;
	[sflag:s5] =	ssyncset.done $0x0  }
0x2d: {  	s15 =	sor.u32 $0x40, s14;
	[sflag:s5] =	ssyncadd.s32 s12  }
0x2e: {  	v1 =	vld [tilespmem:s15+$0x30]  }
0x2f: {  	s30 =	smul.u32 $0x2040, s13;
	v4 =	vld [tilespmem:s15+$0xFFFFFFD0]  }
0x30: {  	v5 =	vld [tilespmem:s15+$0xFFFFFFE0]  }
0x31: {  	s31 =	sand.u32 $0x1, s10;
	s12 =	sshrl.u32 s30, $0x2;
	v2 =	vld [tilespmem:s15+$0xFFFFFFF0]  }
0x32: {  	s13 =	smul.u32 $0x2040, s31;
	s12 =	sor.u32 $0x1007, s12;
	v3 =	vld [tilespmem:s15+$0x0]  }
0x33: {  	v0 =	vld [tilespmem:s15+$0x10];
	[tilespmem:s12+$0x0 ss:$0x81] =	vst.msk $0xffff, v1  }
0x34: {  	s13 =	sshrl.u32 s13, $0x2;
	[tilespmem:s12+$0xFFFFFFFA ss:$0x81] =	vst.msk $0xffff, v4;
	v4 =	vld [tilespmem:s15+$0x20]  }
0x35: {  	s14 =	simm.s32 $0x0;
	s13 =	sor.u32 $0x1000, s13;
	v1 =	vld [tilespmem:s15+$0xFFFFFFC0];
	[tilespmem:s12+$0xFFFFFFFB ss:$0x81] =	vst.msk $0xffff, v5;
	s15 =	sadd.s32 $0x80, s15  }
.LBB1_3:
0x36: {  	v5 =	vld [tilespmem:s15+$0x30];
	s14 =	sadd.s32 $0x8, s14;
	[tilespmem:s12+$0xFFFFFFFC ss:$0x81] =	vst.msk $0xffff, v2  }
0x37: {  	v6 =	vld [tilespmem:s15+$0xFFFFFFD0];
	p1 =	slt.u32 s14, $0x78;
	[tilespmem:s12+$0xFFFFFFFD ss:$0x81] =	vst.msk $0xffff, v3  }
0x38: {  	v7 =	vld [tilespmem:s15+$0xFFFFFFE0];
	[tilespmem:s12+$0xFFFFFFFE ss:$0x81] =	vst.msk $0xffff, v0  }
.Ltmp3:
0x39: {  	v2 =	vld [tilespmem:s15+$0xFFFFFFF0];
	[tilespmem:s12+$0xFFFFFFFF ss:$0x81] =	vst.msk $0xffff, v4;
	(pc) =	sbr.rel @p1 .LBB1_3-.Ltmp3, $4  }
0x3a: {  	v3 =	vld [tilespmem:s15+$0x0];
	[tilespmem:s12+$0xFFFFFFF9 ss:$0x81] =	vst.msk $0xffff, v1;
	s12 =	sadd.s32 $0x8, s12  }
0x3b: {  	v0 =	vld [tilespmem:s15+$0x10];
	[tilespmem:s12+$0x0 ss:$0x81] =	vst.msk $0xffff, v5  }
0x3c: {  	[tilespmem:s12+$0xFFFFFFFA ss:$0x81] =	vst.msk $0xffff, v6;
	v4 =	vld [tilespmem:s15+$0x20]  }
0x3d: {  	v1 =	vld [tilespmem:s15+$0xFFFFFFC0];
	[tilespmem:s12+$0xFFFFFFFB ss:$0x81] =	vst.msk $0xffff, v7;
	s15 =	sadd.s32 $0x80, s15  }
0x3e: {  	s14 =	sshll.u32 s11, $0x3  }
0x3f: {  	s30 =	sand.u32 $0x7F, s11;
	s14 =	sand.u32 $0xFFFFFC00, s14  }
0x40: {  	s11 =	sor.u32 s30, s14  }
0x41: {  	s15 =	smulhi.u32 $0x218D6287, s11;
	_ =	sdelay $0x1  }
0x42: {  	s14 =	smulhi.u32 $0x218D6287, s14;
	s15 =	sshrl.u32 s15, $0x11  }
0x43: {  	s15 =	smul.u32 $0xF4280, s15  }
0x44: {  	[tilespmem:s12+$0xFFFFFFFC ss:$0x81] =	vst.msk $0xffff, v2;
	s14 =	sshrl.u32 s14, $0x11  }
.Ltmp4:
0x45: {  	[tilespmem:s12+$0xFFFFFFFD ss:$0x81] =	vst.msk $0xffff, v3;
	s14 =	sand.u32 $0xF, s14;
	s11 =	ssub.s32 s11, s15;
	(pc) =	sbr.rel .LBB1_5-.Ltmp4, $4  }
0x46: {  	[tilespmem:s12+$0xFFFFFFFE ss:$0x81] =	vst.msk $0xffff, v0;
	s14 =	smul.u32 $0x1E850, s14;
	s15 =	sshrl.u32 s11, $0x3;
	s11 =	sand.u32 $0x7, s11  }
0x47: {  	[tilespmem:s12+$0xFFFFFFFF ss:$0x81] =	vst.msk $0xffff, v4;
	s15 =	sadd.s32 s2, s15;
	s11 =	sshll.u32 s11, $0x12  }
0x48: {  	[tilespmem:s12+$0xFFFFFFF9 ss:$0x81] =	vst.msk $0xffff, v1;
	s31 =	sadd.s32 s14, s15;
	s11 =	sor.u32 $0x400, s11  }
0x49: {  	[hbm4b:s31+s11] =	stream.strided.scatter [tilespmem:s13], [sflag:$0x2], $0x800, s8, s11, $0x20;
	[tilespmem:$0x2020] =	vst v63  }
.LBB1_6:
0x4a: {  	_ =	sfence.sel $0x180000  }
0x4b: {  	s2 =	simm.s32 $0x1;
	[bflag:$0x0] =	sbarrier.arrive $0xFFFF  }
0x4c: {  	s31 =	simm.s32 $0x2;
	[sflag:s2] =	ssyncpa.u1 $0x1  }
0x4d: {  	[sflag:s31] =	ssyncpa.u1 $0x1  }
0x4e: {  	p0 =	sne.s32 s1, $0x0;
	_ =	strace $0x9000004A  }
0x4f: {  	s0 =	sadd.s32 @!p0 $0x100000, s0;
	[bflag:$0x2] =	sbarrier.arrive $0xFFFF  }
0x50: {  	[sflag:s0] =	ssyncadd.tile.s32 @!p0 $0x1;
	_ =	shalt  }
.Lfunc_end1:
_tile_overlayer_lowered:
.L_overlay_start_2:
0x51: {  	(tag) =	ssettag $0x2  }
0x52: {  	s0 =	rddreg [dreg:$0x0];
	s2 =	stileid.u32  }
0x53: {  	s1 =	rddreg [dreg:$0x1];
	p0 =	sne.s32 s2, $0x0  }
0x54: {  	s3 =	rddreg [dreg:$0x2];
	[bflag:$0x3] =	sbarrier.arrive $0xFFFF;
	s2 =	simm.s32 @!p0 $0x1C01  }
0x55: {  	[timem:s3], [sflag:s2] =	dma.local @!p0 [hbm:s0], s1  }
0x56: {  	s0 =	simm.s32 @!p0 $0x1  }
0x57: {  	_ =	swait.ge @!p0 [sflag:s0], s1  }
0x58: {  	s1 =	ssub.s32 @!p0 $0x0, s1;
	[sflag:s0] =	ssyncset.done @!p0 $0x0  }
0x59: {  	[sflag:s0] =	ssyncadd.s32 @!p0 s1  }
0x5a: {  	[bflag:$0x3] =	sbarrier.arrive $0xFFFF  }
0x5b: {  	_ =	shalt  }

</sc_bundles>
